<compile_context>
chip_gen: v7x
topology: tpu7x:2x2x1
jax: 0.10.2.dev20260603
libtpu: 0.0.44.dev20260713+nightly
codegen_flags: <defaults>
</compile_context>

<pallas_src>
import jax
import jax.numpy as jnp
from jax import lax
from jax.experimental import pallas as pl
from jax.experimental.pallas import tpu as pltpu
from jax.experimental.pallas import tpu_sc as plsc
import functools

_LANES = 16


@functools.lru_cache(maxsize=None)
def _build_sc_kernel(num_pairs, dim):
    info = plsc.get_sparse_core_info()
    nc, ns = info.num_cores, info.num_subcores
    nw = nc * ns
    ppw = num_pairs // nw
    rpw = 2 * ppw
    dvec = dim // _LANES
    if rpw == 256:
        chunks = (16, 48, 96, 96)
    else:
        chunks = (rpw // 4,) * 4
    assert sum(chunks) == rpw

    mesh = plsc.VectorSubcoreMesh(core_axis_name="c", subcore_axis_name="s")

    @functools.partial(
        pl.kernel,
        out_type=jax.ShapeDtypeStruct((nw, _LANES), jnp.float32),
        mesh=mesh,
        scratch_types=[
            pltpu.VMEM((rpw,), jnp.int32),
            pltpu.VMEM((rpw, dim), jnp.float32),
            pltpu.VMEM((_LANES,), jnp.float32),
            pltpu.SemaphoreType.DMA,
        ],
    )
    def polarity_kernel(table_hbm, idx_hbm, out_hbm, idx_v, rows_v, acc_v, sem):
        wid = lax.axis_index("s") * nc + lax.axis_index("c")

        pltpu.sync_copy(idx_hbm.at[wid], idx_v)
        copies = []
        base = 0
        for crows in chunks:
            sl = pl.ds(base, crows)
            copies.append(
                pltpu.async_copy(table_hbm.at[idx_v.at[sl]], rows_v.at[sl], sem))
            base += crows

        mhalf = jnp.full((_LANES,), -0.5, jnp.float32)
        one = jnp.full((_LANES,), 1.0, jnp.float32)
        tenth = jnp.full((_LANES,), 0.1, jnp.float32)
        zero = jnp.zeros((_LANES,), jnp.float32)

        def pair_body(q, accs):
            accs = list(accs)
            for d in range(dvec):
                a = rows_v[2 * q, pl.ds(d * _LANES, _LANES)]
                b = rows_v[2 * q + 1, pl.ds(d * _LANES, _LANES)]
                opposite = (a < zero) ^ (b < zero)
                aa = jnp.abs(a)
                ab = jnp.abs(b)
                any_zero = jnp.minimum(aa, ab) == zero
                abs_sum = aa + ab
                factor = jnp.where(opposite, mhalf, one)
                accs[d % 4] = accs[d % 4] + jnp.where(
                    any_zero, tenth, factor * abs_sum)
            return tuple(accs)

        accs = (zero, zero, zero, zero)
        qbase = 0
        for c, crows in enumerate(chunks):
            copies[c].wait()
            accs = lax.fori_loop(qbase, qbase + crows // 2, pair_body, accs)
            qbase += crows // 2
        acc_v[...] = (accs[0] + accs[1]) + (accs[2] + accs[3])
        pltpu.sync_copy(acc_v, out_hbm.at[wid])

    return polarity_kernel, nw, rpw


def kernel(embeddings, antonym_pairs):
    num_pairs, dim = antonym_pairs.shape[0], embeddings.shape[1]
    sc_kernel, nw, rpw = _build_sc_kernel(num_pairs, dim)
    idx = antonym_pairs.astype(jnp.int32).reshape(nw, rpw)
    partials = sc_kernel(embeddings, idx)
    return partials.sum() * jnp.float32(1.0 / num_pairs)

# --- scband reference (transcript-rebuilt; emitter-appended) ---
"""Pipeline reference for scband-polarity-loss-22247930593468 (READ-ONLY COPY).

The authoritative reference and input builder live on the scoring server;
editing this copy changes nothing except your own understanding.
"""

import jax, jax.numpy as jnp
import numpy as np

WEIGHT = 1.0

def setup_inputs(seed: int = 0) -> dict:
    key = jax.random.key(seed)
    k1, k2 = jax.random.split(key)
    embeddings = jax.random.normal(k1, (100000, 128), dtype=jnp.float32)
    antonym_pairs = jax.random.randint(k2, (4096, 2), 0, 100000, dtype=jnp.int64 if jax.config.jax_enable_x64 else jnp.int32).astype(jnp.int32)
    return {"embeddings": embeddings, "antonym_pairs": antonym_pairs}

def reference(embeddings, antonym_pairs):
    # Vectorized, mathematically identical version of the per-pair python loop.
    emb1 = jnp.take(embeddings, antonym_pairs[:, 0], axis=0)  # (P, D)
    emb2 = jnp.take(embeddings, antonym_pairs[:, 1], axis=0)  # (P, D)
    sign_product = jnp.sign(emb1) * jnp.sign(emb2)
    abs_sum = jnp.abs(emb1) + jnp.abs(emb2)
    same_sign_penalty = jnp.where(sign_product > 0, abs_sum, jnp.zeros_like(emb1))
    opposite_sign_reward = jnp.where(sign_product < 0, abs_sum, jnp.zeros_like(emb1))
    zero_penalty = jnp.where(sign_product == 0, jnp.full_like(emb1, 0.1), jnp.zeros_like(emb1))
    pair_loss = same_sign_penalty - 0.5 * opposite_sign_reward + zero_penalty
    n_pairs = antonym_pairs.shape[0]
    loss = pair_loss.sum() / n_pairs * WEIGHT
    return loss

if __name__ == "__main__":
    import jax
    _d = setup_inputs()
    print(jax.jit(kernel)(*tuple(_d.values())))

</pallas_src>

<mosaic_0001>
#map = affine_map<(d0, d1) -> (0, 0)>
module attributes {stable_mosaic.version = 14 : i64} {
  func.func @polarity_kernel(%arg0: i32, %arg1: i32, %arg2: memref<100000x128xf32, #tpu.memory_space<hbm>>, %arg3: memref<32x256xi32, #tpu.memory_space<hbm>>, %arg4: memref<32x16xf32, #tpu.memory_space<hbm>>, %arg5: memref<256xi32, #tpu.memory_space<vmem>>, %arg6: memref<256x128xf32, #tpu.memory_space<vmem>>, %arg7: memref<16xf32, #tpu.memory_space<vmem>>, %arg8: memref<!tpu.dma_semaphore, #tpu.memory_space<semaphore_mem>>) attributes {dimension_semantics = [#tpu.dimension_semantics<core_parallel>, #tpu.dimension_semantics<subcore_parallel>], iteration_bounds = array<i64: 2, 16>, scalar_prefetch = 0 : i64, scratch_operands = 4 : i64, tpu.core_type = #tpu.core_type<sc_vector_subcore>, window_params = [{transform_indices = #map}, {transform_indices = #map}, {transform_indices = #map}]} {
    %mul3A = arith.constant 2 : i32
    %mul3A_0 = arith.muli %arg1, %mul3A : i32
    %add3A = arith.addi %mul3A_0, %arg0 : i32
    "tpu.region"() ({
      %run_scoped3A = tpu.sem_alloc : memref<!tpu.dma_semaphore, #tpu.memory_space<semaphore_mem>>
      %dma_start3A_99 = arith.constant 0 : i32
      %dma_start3A_100 = tpu.memref_slice %arg3[%add3A, %dma_start3A_99] : memref<32x256xi32, #tpu.memory_space<hbm>> -> memref<1x256xi32, #tpu.memory_space<hbm>>
      %dma_start3A_101 = tpu.memref_squeeze %dma_start3A_100 : memref<1x256xi32, #tpu.memory_space<hbm>> -> memref<256xi32, #tpu.memory_space<hbm>>
      %dma_start3A_102 = arith.constant 0 : i32
      %dma_start3A_103 = tpu.memref_slice %arg3[%add3A, %dma_start3A_102] : memref<32x256xi32, #tpu.memory_space<hbm>> -> memref<1x256xi32, #tpu.memory_space<hbm>>
      %dma_start3A_104 = tpu.memref_squeeze %dma_start3A_103 : memref<1x256xi32, #tpu.memory_space<hbm>> -> memref<256xi32, #tpu.memory_space<hbm>>
      tpu.enqueue_dma source(%dma_start3A_104 : memref<256xi32, #tpu.memory_space<hbm>>) target(%arg5 : memref<256xi32, #tpu.memory_space<vmem>>) target_semaphore(%run_scoped3A : memref<!tpu.dma_semaphore, #tpu.memory_space<semaphore_mem>>)
      %dma_wait3A_105 = arith.constant 0 : i32
      %dma_wait3A_106 = tpu.memref_slice %arg3[%add3A, %dma_wait3A_105] : memref<32x256xi32, #tpu.memory_space<hbm>> -> memref<1x256xi32, #tpu.memory_space<hbm>>
      %dma_wait3A_107 = tpu.memref_squeeze %dma_wait3A_106 : memref<1x256xi32, #tpu.memory_space<hbm>> -> memref<256xi32, #tpu.memory_space<hbm>>
      %dma_wait3A_108 = arith.constant 0 : i32
      %dma_wait3A_109 = tpu.memref_slice %arg3[%add3A, %dma_wait3A_108] : memref<32x256xi32, #tpu.memory_space<hbm>> -> memref<1x256xi32, #tpu.memory_space<hbm>>
      %dma_wait3A_110 = tpu.memref_squeeze %dma_wait3A_109 : memref<1x256xi32, #tpu.memory_space<hbm>> -> memref<256xi32, #tpu.memory_space<hbm>>
      tpu.wait_dma2 semaphore(%run_scoped3A : memref<!tpu.dma_semaphore, #tpu.memory_space<semaphore_mem>>) src(%dma_wait3A_110 : memref<256xi32, #tpu.memory_space<hbm>>) dst(%arg5 : memref<256xi32, #tpu.memory_space<vmem>>)
      tpu.yield
    }) : () -> ()
    %dma_start3A = arith.constant 0 : i32
    %dma_start3A_1 = arith.constant 0 : i32
    %dma_start3A_2 = tpu.memref_slice %arg6[%dma_start3A, %dma_start3A_1] : memref<256x128xf32, #tpu.memory_space<vmem>> -> memref<16x128xf32, #tpu.memory_space<vmem>>
    %dma_start3A_3 = arith.constant 0 : i32
    %dma_start3A_4 = tpu.memref_slice %arg5[%dma_start3A_3] : memref<256xi32, #tpu.memory_space<vmem>> -> memref<16xi32, #tpu.memory_space<vmem>>
    %dma_start3A_5 = arith.constant 0 : i32
    %dma_start3A_6 = arith.constant 0 : i32
    %dma_start3A_7 = tpu.memref_slice %arg2[%dma_start3A_5, %dma_start3A_6] : memref<100000x128xf32, #tpu.memory_space<hbm>> -> memref<100000x128xf32, #tpu.memory_space<hbm>>
    tpu.enqueue_indirect_dma source(%dma_start3A_7 : memref<100000x128xf32, #tpu.memory_space<hbm>>) target(%dma_start3A_2 : memref<16x128xf32, #tpu.memory_space<vmem>>) offsets(%dma_start3A_4 : memref<16xi32, #tpu.memory_space<vmem>>) semaphore(%arg8 : memref<!tpu.dma_semaphore, #tpu.memory_space<semaphore_mem>>)
    %dma_start3A_8 = arith.constant 16 : i32
    %dma_start3A_9 = arith.constant 0 : i32
    %dma_start3A_10 = tpu.memref_slice %arg6[%dma_start3A_8, %dma_start3A_9] : memref<256x128xf32, #tpu.memory_space<vmem>> -> memref<48x128xf32, #tpu.memory_space<vmem>>
    %dma_start3A_11 = arith.constant 16 : i32
    %dma_start3A_12 = tpu.memref_slice %arg5[%dma_start3A_11] : memref<256xi32, #tpu.memory_space<vmem>> -> memref<48xi32, #tpu.memory_space<vmem>>
    %dma_start3A_13 = arith.constant 0 : i32
    %dma_start3A_14 = arith.constant 0 : i32
    %dma_start3A_15 = tpu.memref_slice %arg2[%dma_start3A_13, %dma_start3A_14] : memref<100000x128xf32, #tpu.memory_space<hbm>> -> memref<100000x128xf32, #tpu.memory_space<hbm>>
    tpu.enqueue_indirect_dma source(%dma_start3A_15 : memref<100000x128xf32, #tpu.memory_space<hbm>>) target(%dma_start3A_10 : memref<48x128xf32, #tpu.memory_space<vmem>>) offsets(%dma_start3A_12 : memref<48xi32, #tpu.memory_space<vmem>>) semaphore(%arg8 : memref<!tpu.dma_semaphore, #tpu.memory_space<semaphore_mem>>)
    %dma_start3A_16 = arith.constant 64 : i32
    %dma_start3A_17 = arith.constant 0 : i32
    %dma_start3A_18 = tpu.memref_slice %arg6[%dma_start3A_16, %dma_start3A_17] : memref<256x128xf32, #tpu.memory_space<vmem>> -> memref<96x128xf32, #tpu.memory_space<vmem>>
    %dma_start3A_19 = arith.constant 64 : i32
    %dma_start3A_20 = tpu.memref_slice %arg5[%dma_start3A_19] : memref<256xi32, #tpu.memory_space<vmem>> -> memref<96xi32, #tpu.memory_space<vmem>>
    %dma_start3A_21 = arith.constant 0 : i32
    %dma_start3A_22 = arith.constant 0 : i32
    %dma_start3A_23 = tpu.memref_slice %arg2[%dma_start3A_21, %dma_start3A_22] : memref<100000x128xf32, #tpu.memory_space<hbm>> -> memref<100000x128xf32, #tpu.memory_space<hbm>>
    tpu.enqueue_indirect_dma source(%dma_start3A_23 : memref<100000x128xf32, #tpu.memory_space<hbm>>) target(%dma_start3A_18 : memref<96x128xf32, #tpu.memory_space<vmem>>) offsets(%dma_start3A_20 : memref<96xi32, #tpu.memory_space<vmem>>) semaphore(%arg8 : memref<!tpu.dma_semaphore, #tpu.memory_space<semaphore_mem>>)
    %dma_start3A_24 = arith.constant 160 : i32
    %dma_start3A_25 = arith.constant 0 : i32
    %dma_start3A_26 = tpu.memref_slice %arg6[%dma_start3A_24, %dma_start3A_25] : memref<256x128xf32, #tpu.memory_space<vmem>> -> memref<96x128xf32, #tpu.memory_space<vmem>>
    %dma_start3A_27 = arith.constant 160 : i32
    %dma_start3A_28 = tpu.memref_slice %arg5[%dma_start3A_27] : memref<256xi32, #tpu.memory_space<vmem>> -> memref<96xi32, #tpu.memory_space<vmem>>
    %dma_start3A_29 = arith.constant 0 : i32
    %dma_start3A_30 = arith.constant 0 : i32
    %dma_start3A_31 = tpu.memref_slice %arg2[%dma_start3A_29, %dma_start3A_30] : memref<100000x128xf32, #tpu.memory_space<hbm>> -> memref<100000x128xf32, #tpu.memory_space<hbm>>
    tpu.enqueue_indirect_dma source(%dma_start3A_31 : memref<100000x128xf32, #tpu.memory_space<hbm>>) target(%dma_start3A_26 : memref<96x128xf32, #tpu.memory_space<vmem>>) offsets(%dma_start3A_28 : memref<96xi32, #tpu.memory_space<vmem>>) semaphore(%arg8 : memref<!tpu.dma_semaphore, #tpu.memory_space<semaphore_mem>>)
    %broadcast_in_dim3A = arith.constant -5.000000e-01 : f32
    %broadcast_in_dim3A_32 = vector.broadcast %broadcast_in_dim3A : f32 to vector<16xf32>
    %broadcast_in_dim3A_33 = arith.constant 1.000000e+00 : f32
    %broadcast_in_dim3A_34 = vector.broadcast %broadcast_in_dim3A_33 : f32 to vector<16xf32>
    %broadcast_in_dim3A_35 = arith.constant 1.000000e-01 : f32
    %broadcast_in_dim3A_36 = vector.broadcast %broadcast_in_dim3A_35 : f32 to vector<16xf32>
    %broadcast_in_dim3A_37 = arith.constant 0.000000e+00 : f32
    %broadcast_in_dim3A_38 = vector.broadcast %broadcast_in_dim3A_37 : f32 to vector<16xf32>
    %dma_wait3A = arith.constant 0 : i32
    %dma_wait3A_39 = arith.constant 0 : i32
    %dma_wait3A_40 = tpu.memref_slice %arg6[%dma_wait3A, %dma_wait3A_39] : memref<256x128xf32, #tpu.memory_space<vmem>> -> memref<16x128xf32, #tpu.memory_space<vmem>>
    %dma_wait3A_41 = arith.constant 0 : i32
    %dma_wait3A_42 = tpu.memref_slice %arg5[%dma_wait3A_41] : memref<256xi32, #tpu.memory_space<vmem>> -> memref<16xi32, #tpu.memory_space<vmem>>
    %dma_wait3A_43 = arith.constant 0 : i32
    %dma_wait3A_44 = arith.constant 0 : i32
    %dma_wait3A_45 = tpu.memref_slice %arg2[%dma_wait3A_43, %dma_wait3A_44] : memref<100000x128xf32, #tpu.memory_space<hbm>> -> memref<100000x128xf32, #tpu.memory_space<hbm>>
    tpu.wait_indirect_dma semaphore(%arg8 : memref<!tpu.dma_semaphore, #tpu.memory_space<semaphore_mem>>) src(%dma_wait3A_45 : memref<100000x128xf32, #tpu.memory_space<hbm>>) dst(%dma_wait3A_40 : memref<16x128xf32, #tpu.memory_space<vmem>>)
    %scan3A = arith.constant 0 : i32
    %scan3A_46 = arith.constant 8 : i32
    %scan3A_47 = arith.addi %scan3A, %scan3A_46 : i32
    %scan3A_48 = arith.constant 1 : i32
    %scan3A_49:4 = scf.for %scan3A_99 = %scan3A to %scan3A_47 step %scan3A_48 iter_args(%scan3A_100 = %broadcast_in_dim3A_38, %scan3A_101 = %broadcast_in_dim3A_38, %scan3A_102 = %broadcast_in_dim3A_38, %scan3A_103 = %broadcast_in_dim3A_38) -> (vector<16xf32>, vector<16xf32>, vector<16xf32>, vector<16xf32>)  : i32 {
      %mul3A_104 = arith.constant 2 : i32
      %mul3A_105 = arith.muli %mul3A_104, %scan3A_99 : i32
      %get3A = arith.index_cast %mul3A_105 : i32 to index
      %get3A_106 = arith.constant 0 : index
      %get3A_107 = tpu.vector_load %arg6[%get3A, %get3A_106] {strides = array<i32>} : memref<256x128xf32, #tpu.memory_space<vmem>>, vector<1x16xf32>,
      %get3A_108 = vector.shape_cast %get3A_107 : vector<1x16xf32> to vector<16xf32>
      %mul3A_109 = arith.constant 2 : i32
      %mul3A_110 = arith.muli %mul3A_109, %scan3A_99 : i32
      %add3A_111 = arith.constant 1 : i32
      %add3A_112 = arith.addi %mul3A_110, %add3A_111 : i32
      %get3A_113 = arith.index_cast %add3A_112 : i32 to index
      %get3A_114 = arith.constant 0 : index
      %get3A_115 = tpu.vector_load %arg6[%get3A_113, %get3A_114] {strides = array<i32>} : memref<256x128xf32, #tpu.memory_space<vmem>>, vector<1x16xf32>,
      %get3A_116 = vector.shape_cast %get3A_115 : vector<1x16xf32> to vector<16xf32>
      %lt3A = arith.cmpf olt, %get3A_108, %broadcast_in_dim3A_38 : vector<16xf32>
      %lt3A_117 = arith.cmpf olt, %get3A_116, %broadcast_in_dim3A_38 : vector<16xf32>
      %xor3A = arith.xori %lt3A, %lt3A_117 : vector<16xi1>
      %abs3A = math.absf %get3A_108 : vector<16xf32>
      %abs3A_118 = math.absf %get3A_116 : vector<16xf32>
      %min3A = arith.minimumf %abs3A, %abs3A_118 : vector<16xf32>
      %eq3A = arith.cmpf oeq, %min3A, %broadcast_in_dim3A_38 : vector<16xf32>
      %add3A_119 = arith.addf %abs3A, %abs3A_118 : vector<16xf32>
      %select_n3A = arith.select %xor3A, %broadcast_in_dim3A_32, %broadcast_in_dim3A_34 : vector<16xi1>, vector<16xf32>
      %mul3A_120 = arith.mulf %select_n3A, %add3A_119 : vector<16xf32>
      %select_n3A_121 = arith.select %eq3A, %broadcast_in_dim3A_36, %mul3A_120 : vector<16xi1>, vector<16xf32>
      %add3A_122 = arith.addf %scan3A_100, %select_n3A_121 : vector<16xf32>
      %mul3A_123 = arith.constant 2 : i32
      %mul3A_124 = arith.muli %mul3A_123, %scan3A_99 : i32
      %get3A_125 = arith.index_cast %mul3A_124 : i32 to index
      %get3A_126 = arith.constant 16 : index
      %get3A_127 = tpu.vector_load %arg6[%get3A_125, %get3A_126] {strides = array<i32>} : memref<256x128xf32, #tpu.memory_space<vmem>>, vector<1x16xf32>,
      %get3A_128 = vector.shape_cast %get3A_127 : vector<1x16xf32> to vector<16xf32>
      %mul3A_129 = arith.constant 2 : i32
      %mul3A_130 = arith.muli %mul3A_129, %scan3A_99 : i32
      %add3A_131 = arith.constant 1 : i32
      %add3A_132 = arith.addi %mul3A_130, %add3A_131 : i32
      %get3A_133 = arith.index_cast %add3A_132 : i32 to index
      %get3A_134 = arith.constant 16 : index
      %get3A_135 = tpu.vector_load %arg6[%get3A_133, %get3A_134] {strides = array<i32>} : memref<256x128xf32, #tpu.memory_space<vmem>>, vector<1x16xf32>,
      %get3A_136 = vector.shape_cast %get3A_135 : vector<1x16xf32> to vector<16xf32>
      %lt3A_137 = arith.cmpf olt, %get3A_128, %broadcast_in_dim3A_38 : vector<16xf32>
      %lt3A_138 = arith.cmpf olt, %get3A_136, %broadcast_in_dim3A_38 : vector<16xf32>
      %xor3A_139 = arith.xori %lt3A_137, %lt3A_138 : vector<16xi1>
      %abs3A_140 = math.absf %get3A_128 : vector<16xf32>
      %abs3A_141 = math.absf %get3A_136 : vector<16xf32>
      %min3A_142 = arith.minimumf %abs3A_140, %abs3A_141 : vector<16xf32>
      %eq3A_143 = arith.cmpf oeq, %min3A_142, %broadcast_in_dim3A_38 : vector<16xf32>
      %add3A_144 = arith.addf %abs3A_140, %abs3A_141 : vector<16xf32>
      %select_n3A_145 = arith.select %xor3A_139, %broadcast_in_dim3A_32, %broadcast_in_dim3A_34 : vector<16xi1>, vector<16xf32>
      %mul3A_146 = arith.mulf %select_n3A_145, %add3A_144 : vector<16xf32>
      %select_n3A_147 = arith.select %eq3A_143, %broadcast_in_dim3A_36, %mul3A_146 : vector<16xi1>, vector<16xf32>
      %add3A_148 = arith.addf %scan3A_101, %select_n3A_147 : vector<16xf32>
      %mul3A_149 = arith.constant 2 : i32
      %mul3A_150 = arith.muli %mul3A_149, %scan3A_99 : i32
      %get3A_151 = arith.index_cast %mul3A_150 : i32 to index
      %get3A_152 = arith.constant 32 : index
      %get3A_153 = tpu.vector_load %arg6[%get3A_151, %get3A_152] {strides = array<i32>} : memref<256x128xf32, #tpu.memory_space<vmem>>, vector<1x16xf32>,
      %get3A_154 = vector.shape_cast %get3A_153 : vector<1x16xf32> to vector<16xf32>
      %mul3A_155 = arith.constant 2 : i32
      %mul3A_156 = arith.muli %mul3A_155, %scan3A_99 : i32
      %add3A_157 = arith.constant 1 : i32
      %add3A_158 = arith.addi %mul3A_156, %add3A_157 : i32
      %get3A_159 = arith.index_cast %add3A_158 : i32 to index
      %get3A_160 = arith.constant 32 : index
      %get3A_161 = tpu.vector_load %arg6[%get3A_159, %get3A_160] {strides = array<i32>} : memref<256x128xf32, #tpu.memory_space<vmem>>, vector<1x16xf32>,
      %get3A_162 = vector.shape_cast %get3A_161 : vector<1x16xf32> to vector<16xf32>
      %lt3A_163 = arith.cmpf olt, %get3A_154, %broadcast_in_dim3A_38 : vector<16xf32>
      %lt3A_164 = arith.cmpf olt, %get3A_162, %broadcast_in_dim3A_38 : vector<16xf32>
      %xor3A_165 = arith.xori %lt3A_163, %lt3A_164 : vector<16xi1>
      %abs3A_166 = math.absf %get3A_154 : vector<16xf32>
      %abs3A_167 = math.absf %get3A_162 : vector<16xf32>
      %min3A_168 = arith.minimumf %abs3A_166, %abs3A_167 : vector<16xf32>
      %eq3A_169 = arith.cmpf oeq, %min3A_168, %broadcast_in_dim3A_38 : vector<16xf32>
      %add3A_170 = arith.addf %abs3A_166, %abs3A_167 : vector<16xf32>
      %select_n3A_171 = arith.select %xor3A_165, %broadcast_in_dim3A_32, %broadcast_in_dim3A_34 : vector<16xi1>, vector<16xf32>
      %mul3A_172 = arith.mulf %select_n3A_171, %add3A_170 : vector<16xf32>
      %select_n3A_173 = arith.select %eq3A_169, %broadcast_in_dim3A_36, %mul3A_172 : vector<16xi1>, vector<16xf32>
      %add3A_174 = arith.addf %scan3A_102, %select_n3A_173 : vector<16xf32>
      %mul3A_175 = arith.constant 2 : i32
      %mul3A_176 = arith.muli %mul3A_175, %scan3A_99 : i32
      %get3A_177 = arith.index_cast %mul3A_176 : i32 to index
      %get3A_178 = arith.constant 48 : index
      %get3A_179 = tpu.vector_load %arg6[%get3A_177, %get3A_178] {strides = array<i32>} : memref<256x128xf32, #tpu.memory_space<vmem>>, vector<1x16xf32>,
      %get3A_180 = vector.shape_cast %get3A_179 : vector<1x16xf32> to vector<16xf32>
      %mul3A_181 = arith.constant 2 : i32
      %mul3A_182 = arith.muli %mul3A_181, %scan3A_99 : i32
      %add3A_183 = arith.constant 1 : i32
      %add3A_184 = arith.addi %mul3A_182, %add3A_183 : i32
      %get3A_185 = arith.index_cast %add3A_184 : i32 to index
      %get3A_186 = arith.constant 48 : index
      %get3A_187 = tpu.vector_load %arg6[%get3A_185, %get3A_186] {strides = array<i32>} : memref<256x128xf32, #tpu.memory_space<vmem>>, vector<1x16xf32>,
      %get3A_188 = vector.shape_cast %get3A_187 : vector<1x16xf32> to vector<16xf32>
      %lt3A_189 = arith.cmpf olt, %get3A_180, %broadcast_in_dim3A_38 : vector<16xf32>
      %lt3A_190 = arith.cmpf olt, %get3A_188, %broadcast_in_dim3A_38 : vector<16xf32>
      %xor3A_191 = arith.xori %lt3A_189, %lt3A_190 : vector<16xi1>
      %abs3A_192 = math.absf %get3A_180 : vector<16xf32>
      %abs3A_193 = math.absf %get3A_188 : vector<16xf32>
      %min3A_194 = arith.minimumf %abs3A_192, %abs3A_193 : vector<16xf32>
      %eq3A_195 = arith.cmpf oeq, %min3A_194, %broadcast_in_dim3A_38 : vector<16xf32>
      %add3A_196 = arith.addf %abs3A_192, %abs3A_193 : vector<16xf32>
      %select_n3A_197 = arith.select %xor3A_191, %broadcast_in_dim3A_32, %broadcast_in_dim3A_34 : vector<16xi1>, vector<16xf32>
      %mul3A_198 = arith.mulf %select_n3A_197, %add3A_196 : vector<16xf32>
      %select_n3A_199 = arith.select %eq3A_195, %broadcast_in_dim3A_36, %mul3A_198 : vector<16xi1>, vector<16xf32>
      %add3A_200 = arith.addf %scan3A_103, %select_n3A_199 : vector<16xf32>
      %mul3A_201 = arith.constant 2 : i32
      %mul3A_202 = arith.muli %mul3A_201, %scan3A_99 : i32
      %get3A_203 = arith.index_cast %mul3A_202 : i32 to index
      %get3A_204 = arith.constant 64 : index
      %get3A_205 = tpu.vector_load %arg6[%get3A_203, %get3A_204] {strides = array<i32>} : memref<256x128xf32, #tpu.memory_space<vmem>>, vector<1x16xf32>,
      %get3A_206 = vector.shape_cast %get3A_205 : vector<1x16xf32> to vector<16xf32>
      %mul3A_207 = arith.constant 2 : i32
      %mul3A_208 = arith.muli %mul3A_207, %scan3A_99 : i32
      %add3A_209 = arith.constant 1 : i32
      %add3A_210 = arith.addi %mul3A_208, %add3A_209 : i32
      %get3A_211 = arith.index_cast %add3A_210 : i32 to index
      %get3A_212 = arith.constant 64 : index
      %get3A_213 = tpu.vector_load %arg6[%get3A_211, %get3A_212] {strides = array<i32>} : memref<256x128xf32, #tpu.memory_space<vmem>>, vector<1x16xf32>,
      %get3A_214 = vector.shape_cast %get3A_213 : vector<1x16xf32> to vector<16xf32>
      %lt3A_215 = arith.cmpf olt, %get3A_206, %broadcast_in_dim3A_38 : vector<16xf32>
      %lt3A_216 = arith.cmpf olt, %get3A_214, %broadcast_in_dim3A_38 : vector<16xf32>
      %xor3A_217 = arith.xori %lt3A_215, %lt3A_216 : vector<16xi1>
      %abs3A_218 = math.absf %get3A_206 : vector<16xf32>
      %abs3A_219 = math.absf %get3A_214 : vector<16xf32>
      %min3A_220 = arith.minimumf %abs3A_218, %abs3A_219 : vector<16xf32>
      %eq3A_221 = arith.cmpf oeq, %min3A_220, %broadcast_in_dim3A_38 : vector<16xf32>
      %add3A_222 = arith.addf %abs3A_218, %abs3A_219 : vector<16xf32>
      %select_n3A_223 = arith.select %xor3A_217, %broadcast_in_dim3A_32, %broadcast_in_dim3A_34 : vector<16xi1>, vector<16xf32>
      %mul3A_224 = arith.mulf %select_n3A_223, %add3A_222 : vector<16xf32>
      %select_n3A_225 = arith.select %eq3A_221, %broadcast_in_dim3A_36, %mul3A_224 : vector<16xi1>, vector<16xf32>
      %add3A_226 = arith.addf %add3A_122, %select_n3A_225 : vector<16xf32>
      %mul3A_227 = arith.constant 2 : i32
      %mul3A_228 = arith.muli %mul3A_227, %scan3A_99 : i32
      %get3A_229 = arith.index_cast %mul3A_228 : i32 to index
      %get3A_230 = arith.constant 80 : index
      %get3A_231 = tpu.vector_load %arg6[%get3A_229, %get3A_230] {strides = array<i32>} : memref<256x128xf32, #tpu.memory_space<vmem>>, vector<1x16xf32>,
      %get3A_232 = vector.shape_cast %get3A_231 : vector<1x16xf32> to vector<16xf32>
      %mul3A_233 = arith.constant 2 : i32
      %mul3A_234 = arith.muli %mul3A_233, %scan3A_99 : i32
      %add3A_235 = arith.constant 1 : i32
      %add3A_236 = arith.addi %mul3A_234, %add3A_235 : i32
      %get3A_237 = arith.index_cast %add3A_236 : i32 to index
      %get3A_238 = arith.constant 80 : index
      %get3A_239 = tpu.vector_load %arg6[%get3A_237, %get3A_238] {strides = array<i32>} : memref<256x128xf32, #tpu.memory_space<vmem>>, vector<1x16xf32>,
      %get3A_240 = vector.shape_cast %get3A_239 : vector<1x16xf32> to vector<16xf32>
      %lt3A_241 = arith.cmpf olt, %get3A_232, %broadcast_in_dim3A_38 : vector<16xf32>
      %lt3A_242 = arith.cmpf olt, %get3A_240, %broadcast_in_dim3A_38 : vector<16xf32>
      %xor3A_243 = arith.xori %lt3A_241, %lt3A_242 : vector<16xi1>
      %abs3A_244 = math.absf %get3A_232 : vector<16xf32>
      %abs3A_245 = math.absf %get3A_240 : vector<16xf32>
      %min3A_246 = arith.minimumf %abs3A_244, %abs3A_245 : vector<16xf32>
      %eq3A_247 = arith.cmpf oeq, %min3A_246, %broadcast_in_dim3A_38 : vector<16xf32>
      %add3A_248 = arith.addf %abs3A_244, %abs3A_245 : vector<16xf32>
      %select_n3A_249 = arith.select %xor3A_243, %broadcast_in_dim3A_32, %broadcast_in_dim3A_34 : vector<16xi1>, vector<16xf32>
      %mul3A_250 = arith.mulf %select_n3A_249, %add3A_248 : vector<16xf32>
      %select_n3A_251 = arith.select %eq3A_247, %broadcast_in_dim3A_36, %mul3A_250 : vector<16xi1>, vector<16xf32>
      %add3A_252 = arith.addf %add3A_148, %select_n3A_251 : vector<16xf32>
      %mul3A_253 = arith.constant 2 : i32
      %mul3A_254 = arith.muli %mul3A_253, %scan3A_99 : i32
      %get3A_255 = arith.index_cast %mul3A_254 : i32 to index
      %get3A_256 = arith.constant 96 : index
      %get3A_257 = tpu.vector_load %arg6[%get3A_255, %get3A_256] {strides = array<i32>} : memref<256x128xf32, #tpu.memory_space<vmem>>, vector<1x16xf32>,
      %get3A_258 = vector.shape_cast %get3A_257 : vector<1x16xf32> to vector<16xf32>
      %mul3A_259 = arith.constant 2 : i32
      %mul3A_260 = arith.muli %mul3A_259, %scan3A_99 : i32
      %add3A_261 = arith.constant 1 : i32
      %add3A_262 = arith.addi %mul3A_260, %add3A_261 : i32
      %get3A_263 = arith.index_cast %add3A_262 : i32 to index
      %get3A_264 = arith.constant 96 : index
      %get3A_265 = tpu.vector_load %arg6[%get3A_263, %get3A_264] {strides = array<i32>} : memref<256x128xf32, #tpu.memory_space<vmem>>, vector<1x16xf32>,
      %get3A_266 = vector.shape_cast %get3A_265 : vector<1x16xf32> to vector<16xf32>
      %lt3A_267 = arith.cmpf olt, %get3A_258, %broadcast_in_dim3A_38 : vector<16xf32>
      %lt3A_268 = arith.cmpf olt, %get3A_266, %broadcast_in_dim3A_38 : vector<16xf32>
      %xor3A_269 = arith.xori %lt3A_267, %lt3A_268 : vector<16xi1>
      %abs3A_270 = math.absf %get3A_258 : vector<16xf32>
      %abs3A_271 = math.absf %get3A_266 : vector<16xf32>
      %min3A_272 = arith.minimumf %abs3A_270, %abs3A_271 : vector<16xf32>
      %eq3A_273 = arith.cmpf oeq, %min3A_272, %broadcast_in_dim3A_38 : vector<16xf32>
      %add3A_274 = arith.addf %abs3A_270, %abs3A_271 : vector<16xf32>
      %select_n3A_275 = arith.select %xor3A_269, %broadcast_in_dim3A_32, %broadcast_in_dim3A_34 : vector<16xi1>, vector<16xf32>
      %mul3A_276 = arith.mulf %select_n3A_275, %add3A_274 : vector<16xf32>
      %select_n3A_277 = arith.select %eq3A_273, %broadcast_in_dim3A_36, %mul3A_276 : vector<16xi1>, vector<16xf32>
      %add3A_278 = arith.addf %add3A_174, %select_n3A_277 : vector<16xf32>
      %mul3A_279 = arith.constant 2 : i32
      %mul3A_280 = arith.muli %mul3A_279, %scan3A_99 : i32
      %get3A_281 = arith.index_cast %mul3A_280 : i32 to index
      %get3A_282 = arith.constant 112 : index
      %get3A_283 = tpu.vector_load %arg6[%get3A_281, %get3A_282] {strides = array<i32>} : memref<256x128xf32, #tpu.memory_space<vmem>>, vector<1x16xf32>,
      %get3A_284 = vector.shape_cast %get3A_283 : vector<1x16xf32> to vector<16xf32>
      %mul3A_285 = arith.constant 2 : i32
      %mul3A_286 = arith.muli %mul3A_285, %scan3A_99 : i32
      %add3A_287 = arith.constant 1 : i32
      %add3A_288 = arith.addi %mul3A_286, %add3A_287 : i32
      %get3A_289 = arith.index_cast %add3A_288 : i32 to index
      %get3A_290 = arith.constant 112 : index
      %get3A_291 = tpu.vector_load %arg6[%get3A_289, %get3A_290] {strides = array<i32>} : memref<256x128xf32, #tpu.memory_space<vmem>>, vector<1x16xf32>,
      %get3A_292 = vector.shape_cast %get3A_291 : vector<1x16xf32> to vector<16xf32>
      %lt3A_293 = arith.cmpf olt, %get3A_284, %broadcast_in_dim3A_38 : vector<16xf32>
      %lt3A_294 = arith.cmpf olt, %get3A_292, %broadcast_in_dim3A_38 : vector<16xf32>
      %xor3A_295 = arith.xori %lt3A_293, %lt3A_294 : vector<16xi1>
      %abs3A_296 = math.absf %get3A_284 : vector<16xf32>
      %abs3A_297 = math.absf %get3A_292 : vector<16xf32>
      %min3A_298 = arith.minimumf %abs3A_296, %abs3A_297 : vector<16xf32>
      %eq3A_299 = arith.cmpf oeq, %min3A_298, %broadcast_in_dim3A_38 : vector<16xf32>
      %add3A_300 = arith.addf %abs3A_296, %abs3A_297 : vector<16xf32>
      %select_n3A_301 = arith.select %xor3A_295, %broadcast_in_dim3A_32, %broadcast_in_dim3A_34 : vector<16xi1>, vector<16xf32>
      %mul3A_302 = arith.mulf %select_n3A_301, %add3A_300 : vector<16xf32>
      %select_n3A_303 = arith.select %eq3A_299, %broadcast_in_dim3A_36, %mul3A_302 : vector<16xi1>, vector<16xf32>
      %add3A_304 = arith.addf %add3A_200, %select_n3A_303 : vector<16xf32>
      scf.yield %add3A_226, %add3A_252, %add3A_278, %add3A_304 : vector<16xf32>, vector<16xf32>, vector<16xf32>, vector<16xf32>
    }
    %scan3A_50 = arith.constant 8 : i32
    %dma_wait3A_51 = arith.constant 16 : i32
    %dma_wait3A_52 = arith.constant 0 : i32
    %dma_wait3A_53 = tpu.memref_slice %arg6[%dma_wait3A_51, %dma_wait3A_52] : memref<256x128xf32, #tpu.memory_space<vmem>> -> memref<48x128xf32, #tpu.memory_space<vmem>>
    %dma_wait3A_54 = arith.constant 16 : i32
    %dma_wait3A_55 = tpu.memref_slice %arg5[%dma_wait3A_54] : memref<256xi32, #tpu.memory_space<vmem>> -> memref<48xi32, #tpu.memory_space<vmem>>
    %dma_wait3A_56 = arith.constant 0 : i32
    %dma_wait3A_57 = arith.constant 0 : i32
    %dma_wait3A_58 = tpu.memref_slice %arg2[%dma_wait3A_56, %dma_wait3A_57] : memref<100000x128xf32, #tpu.memory_space<hbm>> -> memref<100000x128xf32, #tpu.memory_space<hbm>>
    tpu.wait_indirect_dma semaphore(%arg8 : memref<!tpu.dma_semaphore, #tpu.memory_space<semaphore_mem>>) src(%dma_wait3A_58 : memref<100000x128xf32, #tpu.memory_space<hbm>>) dst(%dma_wait3A_53 : memref<48x128xf32, #tpu.memory_space<vmem>>)
    %scan3A_59 = arith.constant 8 : i32
    %scan3A_60 = arith.constant 24 : i32
    %scan3A_61 = arith.addi %scan3A_59, %scan3A_60 : i32
    %scan3A_62 = arith.constant 1 : i32
    %scan3A_63:4 = scf.for %scan3A_99 = %scan3A_59 to %scan3A_61 step %scan3A_62 iter_args(%scan3A_100 = %scan3A_49#0, %scan3A_101 = %scan3A_49#1, %scan3A_102 = %scan3A_49#2, %scan3A_103 = %scan3A_49#3) -> (vector<16xf32>, vector<16xf32>, vector<16xf32>, vector<16xf32>)  : i32 {
      %mul3A_104 = arith.constant 2 : i32
      %mul3A_105 = arith.muli %mul3A_104, %scan3A_99 : i32
      %get3A = arith.index_cast %mul3A_105 : i32 to index
      %get3A_106 = arith.constant 0 : index
      %get3A_107 = tpu.vector_load %arg6[%get3A, %get3A_106] {strides = array<i32>} : memref<256x128xf32, #tpu.memory_space<vmem>>, vector<1x16xf32>,
      %get3A_108 = vector.shape_cast %get3A_107 : vector<1x16xf32> to vector<16xf32>
      %mul3A_109 = arith.constant 2 : i32
      %mul3A_110 = arith.muli %mul3A_109, %scan3A_99 : i32
      %add3A_111 = arith.constant 1 : i32
      %add3A_112 = arith.addi %mul3A_110, %add3A_111 : i32
      %get3A_113 = arith.index_cast %add3A_112 : i32 to index
      %get3A_114 = arith.constant 0 : index
      %get3A_115 = tpu.vector_load %arg6[%get3A_113, %get3A_114] {strides = array<i32>} : memref<256x128xf32, #tpu.memory_space<vmem>>, vector<1x16xf32>,
      %get3A_116 = vector.shape_cast %get3A_115 : vector<1x16xf32> to vector<16xf32>
      %lt3A = arith.cmpf olt, %get3A_108, %broadcast_in_dim3A_38 : vector<16xf32>
      %lt3A_117 = arith.cmpf olt, %get3A_116, %broadcast_in_dim3A_38 : vector<16xf32>
      %xor3A = arith.xori %lt3A, %lt3A_117 : vector<16xi1>
      %abs3A = math.absf %get3A_108 : vector<16xf32>
      %abs3A_118 = math.absf %get3A_116 : vector<16xf32>
      %min3A = arith.minimumf %abs3A, %abs3A_118 : vector<16xf32>
      %eq3A = arith.cmpf oeq, %min3A, %broadcast_in_dim3A_38 : vector<16xf32>
      %add3A_119 = arith.addf %abs3A, %abs3A_118 : vector<16xf32>
      %select_n3A = arith.select %xor3A, %broadcast_in_dim3A_32, %broadcast_in_dim3A_34 : vector<16xi1>, vector<16xf32>
      %mul3A_120 = arith.mulf %select_n3A, %add3A_119 : vector<16xf32>
      %select_n3A_121 = arith.select %eq3A, %broadcast_in_dim3A_36, %mul3A_120 : vector<16xi1>, vector<16xf32>
      %add3A_122 = arith.addf %scan3A_100, %select_n3A_121 : vector<16xf32>
      %mul3A_123 = arith.constant 2 : i32
      %mul3A_124 = arith.muli %mul3A_123, %scan3A_99 : i32
      %get3A_125 = arith.index_cast %mul3A_124 : i32 to index
      %get3A_126 = arith.constant 16 : index
      %get3A_127 = tpu.vector_load %arg6[%get3A_125, %get3A_126] {strides = array<i32>} : memref<256x128xf32, #tpu.memory_space<vmem>>, vector<1x16xf32>,
      %get3A_128 = vector.shape_cast %get3A_127 : vector<1x16xf32> to vector<16xf32>
      %mul3A_129 = arith.constant 2 : i32
      %mul3A_130 = arith.muli %mul3A_129, %scan3A_99 : i32
      %add3A_131 = arith.constant 1 : i32
      %add3A_132 = arith.addi %mul3A_130, %add3A_131 : i32
      %get3A_133 = arith.index_cast %add3A_132 : i32 to index
      %get3A_134 = arith.constant 16 : index
      %get3A_135 = tpu.vector_load %arg6[%get3A_133, %get3A_134] {strides = array<i32>} : memref<256x128xf32, #tpu.memory_space<vmem>>, vector<1x16xf32>,
      %get3A_136 = vector.shape_cast %get3A_135 : vector<1x16xf32> to vector<16xf32>
      %lt3A_137 = arith.cmpf olt, %get3A_128, %broadcast_in_dim3A_38 : vector<16xf32>
      %lt3A_138 = arith.cmpf olt, %get3A_136, %broadcast_in_dim3A_38 : vector<16xf32>
      %xor3A_139 = arith.xori %lt3A_137, %lt3A_138 : vector<16xi1>
      %abs3A_140 = math.absf %get3A_128 : vector<16xf32>
      %abs3A_141 = math.absf %get3A_136 : vector<16xf32>
      %min3A_142 = arith.minimumf %abs3A_140, %abs3A_141 : vector<16xf32>
      %eq3A_143 = arith.cmpf oeq, %min3A_142, %broadcast_in_dim3A_38 : vector<16xf32>
      %add3A_144 = arith.addf %abs3A_140, %abs3A_141 : vector<16xf32>
      %select_n3A_145 = arith.select %xor3A_139, %broadcast_in_dim3A_32, %broadcast_in_dim3A_34 : vector<16xi1>, vector<16xf32>
      %mul3A_146 = arith.mulf %select_n3A_145, %add3A_144 : vector<16xf32>
      %select_n3A_147 = arith.select %eq3A_143, %broadcast_in_dim3A_36, %mul3A_146 : vector<16xi1>, vector<16xf32>
      %add3A_148 = arith.addf %scan3A_101, %select_n3A_147 : vector<16xf32>
      %mul3A_149 = arith.constant 2 : i32
      %mul3A_150 = arith.muli %mul3A_149, %scan3A_99 : i32
      %get3A_151 = arith.index_cast %mul3A_150 : i32 to index
      %get3A_152 = arith.constant 32 : index
      %get3A_153 = tpu.vector_load %arg6[%get3A_151, %get3A_152] {strides = array<i32>} : memref<256x128xf32, #tpu.memory_space<vmem>>, vector<1x16xf32>,
      %get3A_154 = vector.shape_cast %get3A_153 : vector<1x16xf32> to vector<16xf32>
      %mul3A_155 = arith.constant 2 : i32
      %mul3A_156 = arith.muli %mul3A_155, %scan3A_99 : i32
      %add3A_157 = arith.constant 1 : i32
      %add3A_158 = arith.addi %mul3A_156, %add3A_157 : i32
      %get3A_159 = arith.index_cast %add3A_158 : i32 to index
      %get3A_160 = arith.constant 32 : index
      %get3A_161 = tpu.vector_load %arg6[%get3A_159, %get3A_160] {strides = array<i32>} : memref<256x128xf32, #tpu.memory_space<vmem>>, vector<1x16xf32>,
      %get3A_162 = vector.shape_cast %get3A_161 : vector<1x16xf32> to vector<16xf32>
      %lt3A_163 = arith.cmpf olt, %get3A_154, %broadcast_in_dim3A_38 : vector<16xf32>
      %lt3A_164 = arith.cmpf olt, %get3A_162, %broadcast_in_dim3A_38 : vector<16xf32>
      %xor3A_165 = arith.xori %lt3A_163, %lt3A_164 : vector<16xi1>
      %abs3A_166 = math.absf %get3A_154 : vector<16xf32>
      %abs3A_167 = math.absf %get3A_162 : vector<16xf32>
      %min3A_168 = arith.minimumf %abs3A_166, %abs3A_167 : vector<16xf32>
      %eq3A_169 = arith.cmpf oeq, %min3A_168, %broadcast_in_dim3A_38 : vector<16xf32>
      %add3A_170 = arith.addf %abs3A_166, %abs3A_167 : vector<16xf32>
      %select_n3A_171 = arith.select %xor3A_165, %broadcast_in_dim3A_32, %broadcast_in_dim3A_34 : vector<16xi1>, vector<16xf32>
      %mul3A_172 = arith.mulf %select_n3A_171, %add3A_170 : vector<16xf32>
      %select_n3A_173 = arith.select %eq3A_169, %broadcast_in_dim3A_36, %mul3A_172 : vector<16xi1>, vector<16xf32>
      %add3A_174 = arith.addf %scan3A_102, %select_n3A_173 : vector<16xf32>
      %mul3A_175 = arith.constant 2 : i32
      %mul3A_176 = arith.muli %mul3A_175, %scan3A_99 : i32
      %get3A_177 = arith.index_cast %mul3A_176 : i32 to index
      %get3A_178 = arith.constant 48 : index
      %get3A_179 = tpu.vector_load %arg6[%get3A_177, %get3A_178] {strides = array<i32>} : memref<256x128xf32, #tpu.memory_space<vmem>>, vector<1x16xf32>,
      %get3A_180 = vector.shape_cast %get3A_179 : vector<1x16xf32> to vector<16xf32>
      %mul3A_181 = arith.constant 2 : i32
      %mul3A_182 = arith.muli %mul3A_181, %scan3A_99 : i32
      %add3A_183 = arith.constant 1 : i32
      %add3A_184 = arith.addi %mul3A_182, %add3A_183 : i32
      %get3A_185 = arith.index_cast %add3A_184 : i32 to index
      %get3A_186 = arith.constant 48 : index
      %get3A_187 = tpu.vector_load %arg6[%get3A_185, %get3A_186] {strides = array<i32>} : memref<256x128xf32, #tpu.memory_space<vmem>>, vector<1x16xf32>,
      %get3A_188 = vector.shape_cast %get3A_187 : vector<1x16xf32> to vector<16xf32>
      %lt3A_189 = arith.cmpf olt, %get3A_180, %broadcast_in_dim3A_38 : vector<16xf32>
      %lt3A_190 = arith.cmpf olt, %get3A_188, %broadcast_in_dim3A_38 : vector<16xf32>
      %xor3A_191 = arith.xori %lt3A_189, %lt3A_190 : vector<16xi1>
      %abs3A_192 = math.absf %get3A_180 : vector<16xf32>
      %abs3A_193 = math.absf %get3A_188 : vector<16xf32>
      %min3A_194 = arith.minimumf %abs3A_192, %abs3A_193 : vector<16xf32>
      %eq3A_195 = arith.cmpf oeq, %min3A_194, %broadcast_in_dim3A_38 : vector<16xf32>
      %add3A_196 = arith.addf %abs3A_192, %abs3A_193 : vector<16xf32>
      %select_n3A_197 = arith.select %xor3A_191, %broadcast_in_dim3A_32, %broadcast_in_dim3A_34 : vector<16xi1>, vector<16xf32>
      %mul3A_198 = arith.mulf %select_n3A_197, %add3A_196 : vector<16xf32>
      %select_n3A_199 = arith.select %eq3A_195, %broadcast_in_dim3A_36, %mul3A_198 : vector<16xi1>, vector<16xf32>
      %add3A_200 = arith.addf %scan3A_103, %select_n3A_199 : vector<16xf32>
      %mul3A_201 = arith.constant 2 : i32
      %mul3A_202 = arith.muli %mul3A_201, %scan3A_99 : i32
      %get3A_203 = arith.index_cast %mul3A_202 : i32 to index
      %get3A_204 = arith.constant 64 : index
      %get3A_205 = tpu.vector_load %arg6[%get3A_203, %get3A_204] {strides = array<i32>} : memref<256x128xf32, #tpu.memory_space<vmem>>, vector<1x16xf32>,
      %get3A_206 = vector.shape_cast %get3A_205 : vector<1x16xf32> to vector<16xf32>
      %mul3A_207 = arith.constant 2 : i32
      %mul3A_208 = arith.muli %mul3A_207, %scan3A_99 : i32
      %add3A_209 = arith.constant 1 : i32
      %add3A_210 = arith.addi %mul3A_208, %add3A_209 : i32
      %get3A_211 = arith.index_cast %add3A_210 : i32 to index
      %get3A_212 = arith.constant 64 : index
      %get3A_213 = tpu.vector_load %arg6[%get3A_211, %get3A_212] {strides = array<i32>} : memref<256x128xf32, #tpu.memory_space<vmem>>, vector<1x16xf32>,
      %get3A_214 = vector.shape_cast %get3A_213 : vector<1x16xf32> to vector<16xf32>
      %lt3A_215 = arith.cmpf olt, %get3A_206, %broadcast_in_dim3A_38 : vector<16xf32>
      %lt3A_216 = arith.cmpf olt, %get3A_214, %broadcast_in_dim3A_38 : vector<16xf32>
      %xor3A_217 = arith.xori %lt3A_215, %lt3A_216 : vector<16xi1>
      %abs3A_218 = math.absf %get3A_206 : vector<16xf32>
      %abs3A_219 = math.absf %get3A_214 : vector<16xf32>
      %min3A_220 = arith.minimumf %abs3A_218, %abs3A_219 : vector<16xf32>
      %eq3A_221 = arith.cmpf oeq, %min3A_220, %broadcast_in_dim3A_38 : vector<16xf32>
      %add3A_222 = arith.addf %abs3A_218, %abs3A_219 : vector<16xf32>
      %select_n3A_223 = arith.select %xor3A_217, %broadcast_in_dim3A_32, %broadcast_in_dim3A_34 : vector<16xi1>, vector<16xf32>
      %mul3A_224 = arith.mulf %select_n3A_223, %add3A_222 : vector<16xf32>
      %select_n3A_225 = arith.select %eq3A_221, %broadcast_in_dim3A_36, %mul3A_224 : vector<16xi1>, vector<16xf32>
      %add3A_226 = arith.addf %add3A_122, %select_n3A_225 : vector<16xf32>
      %mul3A_227 = arith.constant 2 : i32
      %mul3A_228 = arith.muli %mul3A_227, %scan3A_99 : i32
      %get3A_229 = arith.index_cast %mul3A_228 : i32 to index
      %get3A_230 = arith.constant 80 : index
      %get3A_231 = tpu.vector_load %arg6[%get3A_229, %get3A_230] {strides = array<i32>} : memref<256x128xf32, #tpu.memory_space<vmem>>, vector<1x16xf32>,
      %get3A_232 = vector.shape_cast %get3A_231 : vector<1x16xf32> to vector<16xf32>
      %mul3A_233 = arith.constant 2 : i32
      %mul3A_234 = arith.muli %mul3A_233, %scan3A_99 : i32
      %add3A_235 = arith.constant 1 : i32
      %add3A_236 = arith.addi %mul3A_234, %add3A_235 : i32
      %get3A_237 = arith.index_cast %add3A_236 : i32 to index
      %get3A_238 = arith.constant 80 : index
      %get3A_239 = tpu.vector_load %arg6[%get3A_237, %get3A_238] {strides = array<i32>} : memref<256x128xf32, #tpu.memory_space<vmem>>, vector<1x16xf32>,
      %get3A_240 = vector.shape_cast %get3A_239 : vector<1x16xf32> to vector<16xf32>
      %lt3A_241 = arith.cmpf olt, %get3A_232, %broadcast_in_dim3A_38 : vector<16xf32>
      %lt3A_242 = arith.cmpf olt, %get3A_240, %broadcast_in_dim3A_38 : vector<16xf32>
      %xor3A_243 = arith.xori %lt3A_241, %lt3A_242 : vector<16xi1>
      %abs3A_244 = math.absf %get3A_232 : vector<16xf32>
      %abs3A_245 = math.absf %get3A_240 : vector<16xf32>
      %min3A_246 = arith.minimumf %abs3A_244, %abs3A_245 : vector<16xf32>
      %eq3A_247 = arith.cmpf oeq, %min3A_246, %broadcast_in_dim3A_38 : vector<16xf32>
      %add3A_248 = arith.addf %abs3A_244, %abs3A_245 : vector<16xf32>
      %select_n3A_249 = arith.select %xor3A_243, %broadcast_in_dim3A_32, %broadcast_in_dim3A_34 : vector<16xi1>, vector<16xf32>
      %mul3A_250 = arith.mulf %select_n3A_249, %add3A_248 : vector<16xf32>
      %select_n3A_251 = arith.select %eq3A_247, %broadcast_in_dim3A_36, %mul3A_250 : vector<16xi1>, vector<16xf32>
      %add3A_252 = arith.addf %add3A_148, %select_n3A_251 : vector<16xf32>
      %mul3A_253 = arith.constant 2 : i32
      %mul3A_254 = arith.muli %mul3A_253, %scan3A_99 : i32
      %get3A_255 = arith.index_cast %mul3A_254 : i32 to index
      %get3A_256 = arith.constant 96 : index
      %get3A_257 = tpu.vector_load %arg6[%get3A_255, %get3A_256] {strides = array<i32>} : memref<256x128xf32, #tpu.memory_space<vmem>>, vector<1x16xf32>,
      %get3A_258 = vector.shape_cast %get3A_257 : vector<1x16xf32> to vector<16xf32>
      %mul3A_259 = arith.constant 2 : i32
      %mul3A_260 = arith.muli %mul3A_259, %scan3A_99 : i32
      %add3A_261 = arith.constant 1 : i32
      %add3A_262 = arith.addi %mul3A_260, %add3A_261 : i32
      %get3A_263 = arith.index_cast %add3A_262 : i32 to index
      %get3A_264 = arith.constant 96 : index
      %get3A_265 = tpu.vector_load %arg6[%get3A_263, %get3A_264] {strides = array<i32>} : memref<256x128xf32, #tpu.memory_space<vmem>>, vector<1x16xf32>,
      %get3A_266 = vector.shape_cast %get3A_265 : vector<1x16xf32> to vector<16xf32>
      %lt3A_267 = arith.cmpf olt, %get3A_258, %broadcast_in_dim3A_38 : vector<16xf32>
      %lt3A_268 = arith.cmpf olt, %get3A_266, %broadcast_in_dim3A_38 : vector<16xf32>
      %xor3A_269 = arith.xori %lt3A_267, %lt3A_268 : vector<16xi1>
      %abs3A_270 = math.absf %get3A_258 : vector<16xf32>
      %abs3A_271 = math.absf %get3A_266 : vector<16xf32>
      %min3A_272 = arith.minimumf %abs3A_270, %abs3A_271 : vector<16xf32>
      %eq3A_273 = arith.cmpf oeq, %min3A_272, %broadcast_in_dim3A_38 : vector<16xf32>
      %add3A_274 = arith.addf %abs3A_270, %abs3A_271 : vector<16xf32>
      %select_n3A_275 = arith.select %xor3A_269, %broadcast_in_dim3A_32, %broadcast_in_dim3A_34 : vector<16xi1>, vector<16xf32>
      %mul3A_276 = arith.mulf %select_n3A_275, %add3A_274 : vector<16xf32>
      %select_n3A_277 = arith.select %eq3A_273, %broadcast_in_dim3A_36, %mul3A_276 : vector<16xi1>, vector<16xf32>
      %add3A_278 = arith.addf %add3A_174, %select_n3A_277 : vector<16xf32>
      %mul3A_279 = arith.constant 2 : i32
      %mul3A_280 = arith.muli %mul3A_279, %scan3A_99 : i32
      %get3A_281 = arith.index_cast %mul3A_280 : i32 to index
      %get3A_282 = arith.constant 112 : index
      %get3A_283 = tpu.vector_load %arg6[%get3A_281, %get3A_282] {strides = array<i32>} : memref<256x128xf32, #tpu.memory_space<vmem>>, vector<1x16xf32>,
      %get3A_284 = vector.shape_cast %get3A_283 : vector<1x16xf32> to vector<16xf32>
      %mul3A_285 = arith.constant 2 : i32
      %mul3A_286 = arith.muli %mul3A_285, %scan3A_99 : i32
      %add3A_287 = arith.constant 1 : i32
      %add3A_288 = arith.addi %mul3A_286, %add3A_287 : i32
      %get3A_289 = arith.index_cast %add3A_288 : i32 to index
      %get3A_290 = arith.constant 112 : index
      %get3A_291 = tpu.vector_load %arg6[%get3A_289, %get3A_290] {strides = array<i32>} : memref<256x128xf32, #tpu.memory_space<vmem>>, vector<1x16xf32>,
      %get3A_292 = vector.shape_cast %get3A_291 : vector<1x16xf32> to vector<16xf32>
      %lt3A_293 = arith.cmpf olt, %get3A_284, %broadcast_in_dim3A_38 : vector<16xf32>
      %lt3A_294 = arith.cmpf olt, %get3A_292, %broadcast_in_dim3A_38 : vector<16xf32>
      %xor3A_295 = arith.xori %lt3A_293, %lt3A_294 : vector<16xi1>
      %abs3A_296 = math.absf %get3A_284 : vector<16xf32>
      %abs3A_297 = math.absf %get3A_292 : vector<16xf32>
      %min3A_298 = arith.minimumf %abs3A_296, %abs3A_297 : vector<16xf32>
      %eq3A_299 = arith.cmpf oeq, %min3A_298, %broadcast_in_dim3A_38 : vector<16xf32>
      %add3A_300 = arith.addf %abs3A_296, %abs3A_297 : vector<16xf32>
      %select_n3A_301 = arith.select %xor3A_295, %broadcast_in_dim3A_32, %broadcast_in_dim3A_34 : vector<16xi1>, vector<16xf32>
      %mul3A_302 = arith.mulf %select_n3A_301, %add3A_300 : vector<16xf32>
      %select_n3A_303 = arith.select %eq3A_299, %broadcast_in_dim3A_36, %mul3A_302 : vector<16xi1>, vector<16xf32>
      %add3A_304 = arith.addf %add3A_200, %select_n3A_303 : vector<16xf32>
      scf.yield %add3A_226, %add3A_252, %add3A_278, %add3A_304 : vector<16xf32>, vector<16xf32>, vector<16xf32>, vector<16xf32>
    }
    %scan3A_64 = arith.constant 24 : i32
    %dma_wait3A_65 = arith.constant 64 : i32
    %dma_wait3A_66 = arith.constant 0 : i32
    %dma_wait3A_67 = tpu.memref_slice %arg6[%dma_wait3A_65, %dma_wait3A_66] : memref<256x128xf32, #tpu.memory_space<vmem>> -> memref<96x128xf32, #tpu.memory_space<vmem>>
    %dma_wait3A_68 = arith.constant 64 : i32
    %dma_wait3A_69 = tpu.memref_slice %arg5[%dma_wait3A_68] : memref<256xi32, #tpu.memory_space<vmem>> -> memref<96xi32, #tpu.memory_space<vmem>>
    %dma_wait3A_70 = arith.constant 0 : i32
    %dma_wait3A_71 = arith.constant 0 : i32
    %dma_wait3A_72 = tpu.memref_slice %arg2[%dma_wait3A_70, %dma_wait3A_71] : memref<100000x128xf32, #tpu.memory_space<hbm>> -> memref<100000x128xf32, #tpu.memory_space<hbm>>
    tpu.wait_indirect_dma semaphore(%arg8 : memref<!tpu.dma_semaphore, #tpu.memory_space<semaphore_mem>>) src(%dma_wait3A_72 : memref<100000x128xf32, #tpu.memory_space<hbm>>) dst(%dma_wait3A_67 : memref<96x128xf32, #tpu.memory_space<vmem>>)
    %scan3A_73 = arith.constant 32 : i32
    %scan3A_74 = arith.constant 48 : i32
    %scan3A_75 = arith.addi %scan3A_73, %scan3A_74 : i32
    %scan3A_76 = arith.constant 1 : i32
    %scan3A_77:4 = scf.for %scan3A_99 = %scan3A_73 to %scan3A_75 step %scan3A_76 iter_args(%scan3A_100 = %scan3A_63#0, %scan3A_101 = %scan3A_63#1, %scan3A_102 = %scan3A_63#2, %scan3A_103 = %scan3A_63#3) -> (vector<16xf32>, vector<16xf32>, vector<16xf32>, vector<16xf32>)  : i32 {
      %mul3A_104 = arith.constant 2 : i32
      %mul3A_105 = arith.muli %mul3A_104, %scan3A_99 : i32
      %get3A = arith.index_cast %mul3A_105 : i32 to index
      %get3A_106 = arith.constant 0 : index
      %get3A_107 = tpu.vector_load %arg6[%get3A, %get3A_106] {strides = array<i32>} : memref<256x128xf32, #tpu.memory_space<vmem>>, vector<1x16xf32>,
      %get3A_108 = vector.shape_cast %get3A_107 : vector<1x16xf32> to vector<16xf32>
      %mul3A_109 = arith.constant 2 : i32
      %mul3A_110 = arith.muli %mul3A_109, %scan3A_99 : i32
      %add3A_111 = arith.constant 1 : i32
      %add3A_112 = arith.addi %mul3A_110, %add3A_111 : i32
      %get3A_113 = arith.index_cast %add3A_112 : i32 to index
      %get3A_114 = arith.constant 0 : index
      %get3A_115 = tpu.vector_load %arg6[%get3A_113, %get3A_114] {strides = array<i32>} : memref<256x128xf32, #tpu.memory_space<vmem>>, vector<1x16xf32>,
      %get3A_116 = vector.shape_cast %get3A_115 : vector<1x16xf32> to vector<16xf32>
      %lt3A = arith.cmpf olt, %get3A_108, %broadcast_in_dim3A_38 : vector<16xf32>
      %lt3A_117 = arith.cmpf olt, %get3A_116, %broadcast_in_dim3A_38 : vector<16xf32>
      %xor3A = arith.xori %lt3A, %lt3A_117 : vector<16xi1>
      %abs3A = math.absf %get3A_108 : vector<16xf32>
      %abs3A_118 = math.absf %get3A_116 : vector<16xf32>
      %min3A = arith.minimumf %abs3A, %abs3A_118 : vector<16xf32>
      %eq3A = arith.cmpf oeq, %min3A, %broadcast_in_dim3A_38 : vector<16xf32>
      %add3A_119 = arith.addf %abs3A, %abs3A_118 : vector<16xf32>
      %select_n3A = arith.select %xor3A, %broadcast_in_dim3A_32, %broadcast_in_dim3A_34 : vector<16xi1>, vector<16xf32>
      %mul3A_120 = arith.mulf %select_n3A, %add3A_119 : vector<16xf32>
      %select_n3A_121 = arith.select %eq3A, %broadcast_in_dim3A_36, %mul3A_120 : vector<16xi1>, vector<16xf32>
      %add3A_122 = arith.addf %scan3A_100, %select_n3A_121 : vector<16xf32>
      %mul3A_123 = arith.constant 2 : i32
      %mul3A_124 = arith.muli %mul3A_123, %scan3A_99 : i32
      %get3A_125 = arith.index_cast %mul3A_124 : i32 to index
      %get3A_126 = arith.constant 16 : index
      %get3A_127 = tpu.vector_load %arg6[%get3A_125, %get3A_126] {strides = array<i32>} : memref<256x128xf32, #tpu.memory_space<vmem>>, vector<1x16xf32>,
      %get3A_128 = vector.shape_cast %get3A_127 : vector<1x16xf32> to vector<16xf32>
      %mul3A_129 = arith.constant 2 : i32
      %mul3A_130 = arith.muli %mul3A_129, %scan3A_99 : i32
      %add3A_131 = arith.constant 1 : i32
      %add3A_132 = arith.addi %mul3A_130, %add3A_131 : i32
      %get3A_133 = arith.index_cast %add3A_132 : i32 to index
      %get3A_134 = arith.constant 16 : index
      %get3A_135 = tpu.vector_load %arg6[%get3A_133, %get3A_134] {strides = array<i32>} : memref<256x128xf32, #tpu.memory_space<vmem>>, vector<1x16xf32>,
      %get3A_136 = vector.shape_cast %get3A_135 : vector<1x16xf32> to vector<16xf32>
      %lt3A_137 = arith.cmpf olt, %get3A_128, %broadcast_in_dim3A_38 : vector<16xf32>
      %lt3A_138 = arith.cmpf olt, %get3A_136, %broadcast_in_dim3A_38 : vector<16xf32>
      %xor3A_139 = arith.xori %lt3A_137, %lt3A_138 : vector<16xi1>
      %abs3A_140 = math.absf %get3A_128 : vector<16xf32>
      %abs3A_141 = math.absf %get3A_136 : vector<16xf32>
      %min3A_142 = arith.minimumf %abs3A_140, %abs3A_141 : vector<16xf32>
      %eq3A_143 = arith.cmpf oeq, %min3A_142, %broadcast_in_dim3A_38 : vector<16xf32>
      %add3A_144 = arith.addf %abs3A_140, %abs3A_141 : vector<16xf32>
      %select_n3A_145 = arith.select %xor3A_139, %broadcast_in_dim3A_32, %broadcast_in_dim3A_34 : vector<16xi1>, vector<16xf32>
      %mul3A_146 = arith.mulf %select_n3A_145, %add3A_144 : vector<16xf32>
      %select_n3A_147 = arith.select %eq3A_143, %broadcast_in_dim3A_36, %mul3A_146 : vector<16xi1>, vector<16xf32>
      %add3A_148 = arith.addf %scan3A_101, %select_n3A_147 : vector<16xf32>
      %mul3A_149 = arith.constant 2 : i32
      %mul3A_150 = arith.muli %mul3A_149, %scan3A_99 : i32
      %get3A_151 = arith.index_cast %mul3A_150 : i32 to index
      %get3A_152 = arith.constant 32 : index
      %get3A_153 = tpu.vector_load %arg6[%get3A_151, %get3A_152] {strides = array<i32>} : memref<256x128xf32, #tpu.memory_space<vmem>>, vector<1x16xf32>,
      %get3A_154 = vector.shape_cast %get3A_153 : vector<1x16xf32> to vector<16xf32>
      %mul3A_155 = arith.constant 2 : i32
      %mul3A_156 = arith.muli %mul3A_155, %scan3A_99 : i32
      %add3A_157 = arith.constant 1 : i32
      %add3A_158 = arith.addi %mul3A_156, %add3A_157 : i32
      %get3A_159 = arith.index_cast %add3A_158 : i32 to index
      %get3A_160 = arith.constant 32 : index
      %get3A_161 = tpu.vector_load %arg6[%get3A_159, %get3A_160] {strides = array<i32>} : memref<256x128xf32, #tpu.memory_space<vmem>>, vector<1x16xf32>,
      %get3A_162 = vector.shape_cast %get3A_161 : vector<1x16xf32> to vector<16xf32>
      %lt3A_163 = arith.cmpf olt, %get3A_154, %broadcast_in_dim3A_38 : vector<16xf32>
      %lt3A_164 = arith.cmpf olt, %get3A_162, %broadcast_in_dim3A_38 : vector<16xf32>
      %xor3A_165 = arith.xori %lt3A_163, %lt3A_164 : vector<16xi1>
      %abs3A_166 = math.absf %get3A_154 : vector<16xf32>
      %abs3A_167 = math.absf %get3A_162 : vector<16xf32>
      %min3A_168 = arith.minimumf %abs3A_166, %abs3A_167 : vector<16xf32>
      %eq3A_169 = arith.cmpf oeq, %min3A_168, %broadcast_in_dim3A_38 : vector<16xf32>
      %add3A_170 = arith.addf %abs3A_166, %abs3A_167 : vector<16xf32>
      %select_n3A_171 = arith.select %xor3A_165, %broadcast_in_dim3A_32, %broadcast_in_dim3A_34 : vector<16xi1>, vector<16xf32>
      %mul3A_172 = arith.mulf %select_n3A_171, %add3A_170 : vector<16xf32>
      %select_n3A_173 = arith.select %eq3A_169, %broadcast_in_dim3A_36, %mul3A_172 : vector<16xi1>, vector<16xf32>
      %add3A_174 = arith.addf %scan3A_102, %select_n3A_173 : vector<16xf32>
      %mul3A_175 = arith.constant 2 : i32
      %mul3A_176 = arith.muli %mul3A_175, %scan3A_99 : i32
      %get3A_177 = arith.index_cast %mul3A_176 : i32 to index
      %get3A_178 = arith.constant 48 : index
      %get3A_179 = tpu.vector_load %arg6[%get3A_177, %get3A_178] {strides = array<i32>} : memref<256x128xf32, #tpu.memory_space<vmem>>, vector<1x16xf32>,
      %get3A_180 = vector.shape_cast %get3A_179 : vector<1x16xf32> to vector<16xf32>
      %mul3A_181 = arith.constant 2 : i32
      %mul3A_182 = arith.muli %mul3A_181, %scan3A_99 : i32
      %add3A_183 = arith.constant 1 : i32
      %add3A_184 = arith.addi %mul3A_182, %add3A_183 : i32
      %get3A_185 = arith.index_cast %add3A_184 : i32 to index
      %get3A_186 = arith.constant 48 : index
      %get3A_187 = tpu.vector_load %arg6[%get3A_185, %get3A_186] {strides = array<i32>} : memref<256x128xf32, #tpu.memory_space<vmem>>, vector<1x16xf32>,
      %get3A_188 = vector.shape_cast %get3A_187 : vector<1x16xf32> to vector<16xf32>
      %lt3A_189 = arith.cmpf olt, %get3A_180, %broadcast_in_dim3A_38 : vector<16xf32>
      %lt3A_190 = arith.cmpf olt, %get3A_188, %broadcast_in_dim3A_38 : vector<16xf32>
      %xor3A_191 = arith.xori %lt3A_189, %lt3A_190 : vector<16xi1>
      %abs3A_192 = math.absf %get3A_180 : vector<16xf32>
      %abs3A_193 = math.absf %get3A_188 : vector<16xf32>
      %min3A_194 = arith.minimumf %abs3A_192, %abs3A_193 : vector<16xf32>
      %eq3A_195 = arith.cmpf oeq, %min3A_194, %broadcast_in_dim3A_38 : vector<16xf32>
      %add3A_196 = arith.addf %abs3A_192, %abs3A_193 : vector<16xf32>
      %select_n3A_197 = arith.select %xor3A_191, %broadcast_in_dim3A_32, %broadcast_in_dim3A_34 : vector<16xi1>, vector<16xf32>
      %mul3A_198 = arith.mulf %select_n3A_197, %add3A_196 : vector<16xf32>
      %select_n3A_199 = arith.select %eq3A_195, %broadcast_in_dim3A_36, %mul3A_198 : vector<16xi1>, vector<16xf32>
      %add3A_200 = arith.addf %scan3A_103, %select_n3A_199 : vector<16xf32>
      %mul3A_201 = arith.constant 2 : i32
      %mul3A_202 = arith.muli %mul3A_201, %scan3A_99 : i32
      %get3A_203 = arith.index_cast %mul3A_202 : i32 to index
      %get3A_204 = arith.constant 64 : index
      %get3A_205 = tpu.vector_load %arg6[%get3A_203, %get3A_204] {strides = array<i32>} : memref<256x128xf32, #tpu.memory_space<vmem>>, vector<1x16xf32>,
      %get3A_206 = vector.shape_cast %get3A_205 : vector<1x16xf32> to vector<16xf32>
      %mul3A_207 = arith.constant 2 : i32
      %mul3A_208 = arith.muli %mul3A_207, %scan3A_99 : i32
      %add3A_209 = arith.constant 1 : i32
      %add3A_210 = arith.addi %mul3A_208, %add3A_209 : i32
      %get3A_211 = arith.index_cast %add3A_210 : i32 to index
      %get3A_212 = arith.constant 64 : index
      %get3A_213 = tpu.vector_load %arg6[%get3A_211, %get3A_212] {strides = array<i32>} : memref<256x128xf32, #tpu.memory_space<vmem>>, vector<1x16xf32>,
      %get3A_214 = vector.shape_cast %get3A_213 : vector<1x16xf32> to vector<16xf32>
      %lt3A_215 = arith.cmpf olt, %get3A_206, %broadcast_in_dim3A_38 : vector<16xf32>
      %lt3A_216 = arith.cmpf olt, %get3A_214, %broadcast_in_dim3A_38 : vector<16xf32>
      %xor3A_217 = arith.xori %lt3A_215, %lt3A_216 : vector<16xi1>
      %abs3A_218 = math.absf %get3A_206 : vector<16xf32>
      %abs3A_219 = math.absf %get3A_214 : vector<16xf32>
      %min3A_220 = arith.minimumf %abs3A_218, %abs3A_219 : vector<16xf32>
      %eq3A_221 = arith.cmpf oeq, %min3A_220, %broadcast_in_dim3A_38 : vector<16xf32>
      %add3A_222 = arith.addf %abs3A_218, %abs3A_219 : vector<16xf32>
      %select_n3A_223 = arith.select %xor3A_217, %broadcast_in_dim3A_32, %broadcast_in_dim3A_34 : vector<16xi1>, vector<16xf32>
      %mul3A_224 = arith.mulf %select_n3A_223, %add3A_222 : vector<16xf32>
      %select_n3A_225 = arith.select %eq3A_221, %broadcast_in_dim3A_36, %mul3A_224 : vector<16xi1>, vector<16xf32>
      %add3A_226 = arith.addf %add3A_122, %select_n3A_225 : vector<16xf32>
      %mul3A_227 = arith.constant 2 : i32
      %mul3A_228 = arith.muli %mul3A_227, %scan3A_99 : i32
      %get3A_229 = arith.index_cast %mul3A_228 : i32 to index
      %get3A_230 = arith.constant 80 : index
      %get3A_231 = tpu.vector_load %arg6[%get3A_229, %get3A_230] {strides = array<i32>} : memref<256x128xf32, #tpu.memory_space<vmem>>, vector<1x16xf32>,
      %get3A_232 = vector.shape_cast %get3A_231 : vector<1x16xf32> to vector<16xf32>
      %mul3A_233 = arith.constant 2 : i32
      %mul3A_234 = arith.muli %mul3A_233, %scan3A_99 : i32
      %add3A_235 = arith.constant 1 : i32
      %add3A_236 = arith.addi %mul3A_234, %add3A_235 : i32
      %get3A_237 = arith.index_cast %add3A_236 : i32 to index
      %get3A_238 = arith.constant 80 : index
      %get3A_239 = tpu.vector_load %arg6[%get3A_237, %get3A_238] {strides = array<i32>} : memref<256x128xf32, #tpu.memory_space<vmem>>, vector<1x16xf32>,
      %get3A_240 = vector.shape_cast %get3A_239 : vector<1x16xf32> to vector<16xf32>
      %lt3A_241 = arith.cmpf olt, %get3A_232, %broadcast_in_dim3A_38 : vector<16xf32>
      %lt3A_242 = arith.cmpf olt, %get3A_240, %broadcast_in_dim3A_38 : vector<16xf32>
      %xor3A_243 = arith.xori %lt3A_241, %lt3A_242 : vector<16xi1>
      %abs3A_244 = math.absf %get3A_232 : vector<16xf32>
      %abs3A_245 = math.absf %get3A_240 : vector<16xf32>
      %min3A_246 = arith.minimumf %abs3A_244, %abs3A_245 : vector<16xf32>
      %eq3A_247 = arith.cmpf oeq, %min3A_246, %broadcast_in_dim3A_38 : vector<16xf32>
      %add3A_248 = arith.addf %abs3A_244, %abs3A_245 : vector<16xf32>
      %select_n3A_249 = arith.select %xor3A_243, %broadcast_in_dim3A_32, %broadcast_in_dim3A_34 : vector<16xi1>, vector<16xf32>
      %mul3A_250 = arith.mulf %select_n3A_249, %add3A_248 : vector<16xf32>
      %select_n3A_251 = arith.select %eq3A_247, %broadcast_in_dim3A_36, %mul3A_250 : vector<16xi1>, vector<16xf32>
      %add3A_252 = arith.addf %add3A_148, %select_n3A_251 : vector<16xf32>
      %mul3A_253 = arith.constant 2 : i32
      %mul3A_254 = arith.muli %mul3A_253, %scan3A_99 : i32
      %get3A_255 = arith.index_cast %mul3A_254 : i32 to index
      %get3A_256 = arith.constant 96 : index
      %get3A_257 = tpu.vector_load %arg6[%get3A_255, %get3A_256] {strides = array<i32>} : memref<256x128xf32, #tpu.memory_space<vmem>>, vector<1x16xf32>,
      %get3A_258 = vector.shape_cast %get3A_257 : vector<1x16xf32> to vector<16xf32>
      %mul3A_259 = arith.constant 2 : i32
      %mul3A_260 = arith.muli %mul3A_259, %scan3A_99 : i32
      %add3A_261 = arith.constant 1 : i32
      %add3A_262 = arith.addi %mul3A_260, %add3A_261 : i32
      %get3A_263 = arith.index_cast %add3A_262 : i32 to index
      %get3A_264 = arith.constant 96 : index
      %get3A_265 = tpu.vector_load %arg6[%get3A_263, %get3A_264] {strides = array<i32>} : memref<256x128xf32, #tpu.memory_space<vmem>>, vector<1x16xf32>,
      %get3A_266 = vector.shape_cast %get3A_265 : vector<1x16xf32> to vector<16xf32>
      %lt3A_267 = arith.cmpf olt, %get3A_258, %broadcast_in_dim3A_38 : vector<16xf32>
      %lt3A_268 = arith.cmpf olt, %get3A_266, %broadcast_in_dim3A_38 : vector<16xf32>
      %xor3A_269 = arith.xori %lt3A_267, %lt3A_268 : vector<16xi1>
      %abs3A_270 = math.absf %get3A_258 : vector<16xf32>
      %abs3A_271 = math.absf %get3A_266 : vector<16xf32>
      %min3A_272 = arith.minimumf %abs3A_270, %abs3A_271 : vector<16xf32>
      %eq3A_273 = arith.cmpf oeq, %min3A_272, %broadcast_in_dim3A_38 : vector<16xf32>
      %add3A_274 = arith.addf %abs3A_270, %abs3A_271 : vector<16xf32>
      %select_n3A_275 = arith.select %xor3A_269, %broadcast_in_dim3A_32, %broadcast_in_dim3A_34 : vector<16xi1>, vector<16xf32>
      %mul3A_276 = arith.mulf %select_n3A_275, %add3A_274 : vector<16xf32>
      %select_n3A_277 = arith.select %eq3A_273, %broadcast_in_dim3A_36, %mul3A_276 : vector<16xi1>, vector<16xf32>
      %add3A_278 = arith.addf %add3A_174, %select_n3A_277 : vector<16xf32>
      %mul3A_279 = arith.constant 2 : i32
      %mul3A_280 = arith.muli %mul3A_279, %scan3A_99 : i32
      %get3A_281 = arith.index_cast %mul3A_280 : i32 to index
      %get3A_282 = arith.constant 112 : index
      %get3A_283 = tpu.vector_load %arg6[%get3A_281, %get3A_282] {strides = array<i32>} : memref<256x128xf32, #tpu.memory_space<vmem>>, vector<1x16xf32>,
      %get3A_284 = vector.shape_cast %get3A_283 : vector<1x16xf32> to vector<16xf32>
      %mul3A_285 = arith.constant 2 : i32
      %mul3A_286 = arith.muli %mul3A_285, %scan3A_99 : i32
      %add3A_287 = arith.constant 1 : i32
      %add3A_288 = arith.addi %mul3A_286, %add3A_287 : i32
      %get3A_289 = arith.index_cast %add3A_288 : i32 to index
      %get3A_290 = arith.constant 112 : index
      %get3A_291 = tpu.vector_load %arg6[%get3A_289, %get3A_290] {strides = array<i32>} : memref<256x128xf32, #tpu.memory_space<vmem>>, vector<1x16xf32>,
      %get3A_292 = vector.shape_cast %get3A_291 : vector<1x16xf32> to vector<16xf32>
      %lt3A_293 = arith.cmpf olt, %get3A_284, %broadcast_in_dim3A_38 : vector<16xf32>
      %lt3A_294 = arith.cmpf olt, %get3A_292, %broadcast_in_dim3A_38 : vector<16xf32>
      %xor3A_295 = arith.xori %lt3A_293, %lt3A_294 : vector<16xi1>
      %abs3A_296 = math.absf %get3A_284 : vector<16xf32>
      %abs3A_297 = math.absf %get3A_292 : vector<16xf32>
      %min3A_298 = arith.minimumf %abs3A_296, %abs3A_297 : vector<16xf32>
      %eq3A_299 = arith.cmpf oeq, %min3A_298, %broadcast_in_dim3A_38 : vector<16xf32>
      %add3A_300 = arith.addf %abs3A_296, %abs3A_297 : vector<16xf32>
      %select_n3A_301 = arith.select %xor3A_295, %broadcast_in_dim3A_32, %broadcast_in_dim3A_34 : vector<16xi1>, vector<16xf32>
      %mul3A_302 = arith.mulf %select_n3A_301, %add3A_300 : vector<16xf32>
      %select_n3A_303 = arith.select %eq3A_299, %broadcast_in_dim3A_36, %mul3A_302 : vector<16xi1>, vector<16xf32>
      %add3A_304 = arith.addf %add3A_200, %select_n3A_303 : vector<16xf32>
      scf.yield %add3A_226, %add3A_252, %add3A_278, %add3A_304 : vector<16xf32>, vector<16xf32>, vector<16xf32>, vector<16xf32>
    }
    %scan3A_78 = arith.constant 48 : i32
    %dma_wait3A_79 = arith.constant 160 : i32
    %dma_wait3A_80 = arith.constant 0 : i32
    %dma_wait3A_81 = tpu.memref_slice %arg6[%dma_wait3A_79, %dma_wait3A_80] : memref<256x128xf32, #tpu.memory_space<vmem>> -> memref<96x128xf32, #tpu.memory_space<vmem>>
    %dma_wait3A_82 = arith.constant 160 : i32
    %dma_wait3A_83 = tpu.memref_slice %arg5[%dma_wait3A_82] : memref<256xi32, #tpu.memory_space<vmem>> -> memref<96xi32, #tpu.memory_space<vmem>>
    %dma_wait3A_84 = arith.constant 0 : i32
    %dma_wait3A_85 = arith.constant 0 : i32
    %dma_wait3A_86 = tpu.memref_slice %arg2[%dma_wait3A_84, %dma_wait3A_85] : memref<100000x128xf32, #tpu.memory_space<hbm>> -> memref<100000x128xf32, #tpu.memory_space<hbm>>
    tpu.wait_indirect_dma semaphore(%arg8 : memref<!tpu.dma_semaphore, #tpu.memory_space<semaphore_mem>>) src(%dma_wait3A_86 : memref<100000x128xf32, #tpu.memory_space<hbm>>) dst(%dma_wait3A_81 : memref<96x128xf32, #tpu.memory_space<vmem>>)
    %scan3A_87 = arith.constant 80 : i32
    %scan3A_88 = arith.constant 48 : i32
    %scan3A_89 = arith.addi %scan3A_87, %scan3A_88 : i32
    %scan3A_90 = arith.constant 1 : i32
    %scan3A_91:4 = scf.for %scan3A_99 = %scan3A_87 to %scan3A_89 step %scan3A_90 iter_args(%scan3A_100 = %scan3A_77#0, %scan3A_101 = %scan3A_77#1, %scan3A_102 = %scan3A_77#2, %scan3A_103 = %scan3A_77#3) -> (vector<16xf32>, vector<16xf32>, vector<16xf32>, vector<16xf32>)  : i32 {
      %mul3A_104 = arith.constant 2 : i32
      %mul3A_105 = arith.muli %mul3A_104, %scan3A_99 : i32
      %get3A = arith.index_cast %mul3A_105 : i32 to index
      %get3A_106 = arith.constant 0 : index
      %get3A_107 = tpu.vector_load %arg6[%get3A, %get3A_106] {strides = array<i32>} : memref<256x128xf32, #tpu.memory_space<vmem>>, vector<1x16xf32>,
      %get3A_108 = vector.shape_cast %get3A_107 : vector<1x16xf32> to vector<16xf32>
      %mul3A_109 = arith.constant 2 : i32
      %mul3A_110 = arith.muli %mul3A_109, %scan3A_99 : i32
      %add3A_111 = arith.constant 1 : i32
      %add3A_112 = arith.addi %mul3A_110, %add3A_111 : i32
      %get3A_113 = arith.index_cast %add3A_112 : i32 to index
      %get3A_114 = arith.constant 0 : index
      %get3A_115 = tpu.vector_load %arg6[%get3A_113, %get3A_114] {strides = array<i32>} : memref<256x128xf32, #tpu.memory_space<vmem>>, vector<1x16xf32>,
      %get3A_116 = vector.shape_cast %get3A_115 : vector<1x16xf32> to vector<16xf32>
      %lt3A = arith.cmpf olt, %get3A_108, %broadcast_in_dim3A_38 : vector<16xf32>
      %lt3A_117 = arith.cmpf olt, %get3A_116, %broadcast_in_dim3A_38 : vector<16xf32>
      %xor3A = arith.xori %lt3A, %lt3A_117 : vector<16xi1>
      %abs3A = math.absf %get3A_108 : vector<16xf32>
      %abs3A_118 = math.absf %get3A_116 : vector<16xf32>
      %min3A = arith.minimumf %abs3A, %abs3A_118 : vector<16xf32>
      %eq3A = arith.cmpf oeq, %min3A, %broadcast_in_dim3A_38 : vector<16xf32>
      %add3A_119 = arith.addf %abs3A, %abs3A_118 : vector<16xf32>
      %select_n3A = arith.select %xor3A, %broadcast_in_dim3A_32, %broadcast_in_dim3A_34 : vector<16xi1>, vector<16xf32>
      %mul3A_120 = arith.mulf %select_n3A, %add3A_119 : vector<16xf32>
      %select_n3A_121 = arith.select %eq3A, %broadcast_in_dim3A_36, %mul3A_120 : vector<16xi1>, vector<16xf32>
      %add3A_122 = arith.addf %scan3A_100, %select_n3A_121 : vector<16xf32>
      %mul3A_123 = arith.constant 2 : i32
      %mul3A_124 = arith.muli %mul3A_123, %scan3A_99 : i32
      %get3A_125 = arith.index_cast %mul3A_124 : i32 to index
      %get3A_126 = arith.constant 16 : index
      %get3A_127 = tpu.vector_load %arg6[%get3A_125, %get3A_126] {strides = array<i32>} : memref<256x128xf32, #tpu.memory_space<vmem>>, vector<1x16xf32>,
      %get3A_128 = vector.shape_cast %get3A_127 : vector<1x16xf32> to vector<16xf32>
      %mul3A_129 = arith.constant 2 : i32
      %mul3A_130 = arith.muli %mul3A_129, %scan3A_99 : i32
      %add3A_131 = arith.constant 1 : i32
      %add3A_132 = arith.addi %mul3A_130, %add3A_131 : i32
      %get3A_133 = arith.index_cast %add3A_132 : i32 to index
      %get3A_134 = arith.constant 16 : index
      %get3A_135 = tpu.vector_load %arg6[%get3A_133, %get3A_134] {strides = array<i32>} : memref<256x128xf32, #tpu.memory_space<vmem>>, vector<1x16xf32>,
      %get3A_136 = vector.shape_cast %get3A_135 : vector<1x16xf32> to vector<16xf32>
      %lt3A_137 = arith.cmpf olt, %get3A_128, %broadcast_in_dim3A_38 : vector<16xf32>
      %lt3A_138 = arith.cmpf olt, %get3A_136, %broadcast_in_dim3A_38 : vector<16xf32>
      %xor3A_139 = arith.xori %lt3A_137, %lt3A_138 : vector<16xi1>
      %abs3A_140 = math.absf %get3A_128 : vector<16xf32>
      %abs3A_141 = math.absf %get3A_136 : vector<16xf32>
      %min3A_142 = arith.minimumf %abs3A_140, %abs3A_141 : vector<16xf32>
      %eq3A_143 = arith.cmpf oeq, %min3A_142, %broadcast_in_dim3A_38 : vector<16xf32>
      %add3A_144 = arith.addf %abs3A_140, %abs3A_141 : vector<16xf32>
      %select_n3A_145 = arith.select %xor3A_139, %broadcast_in_dim3A_32, %broadcast_in_dim3A_34 : vector<16xi1>, vector<16xf32>
      %mul3A_146 = arith.mulf %select_n3A_145, %add3A_144 : vector<16xf32>
      %select_n3A_147 = arith.select %eq3A_143, %broadcast_in_dim3A_36, %mul3A_146 : vector<16xi1>, vector<16xf32>
      %add3A_148 = arith.addf %scan3A_101, %select_n3A_147 : vector<16xf32>
      %mul3A_149 = arith.constant 2 : i32
      %mul3A_150 = arith.muli %mul3A_149, %scan3A_99 : i32
      %get3A_151 = arith.index_cast %mul3A_150 : i32 to index
      %get3A_152 = arith.constant 32 : index
      %get3A_153 = tpu.vector_load %arg6[%get3A_151, %get3A_152] {strides = array<i32>} : memref<256x128xf32, #tpu.memory_space<vmem>>, vector<1x16xf32>,
      %get3A_154 = vector.shape_cast %get3A_153 : vector<1x16xf32> to vector<16xf32>
      %mul3A_155 = arith.constant 2 : i32
      %mul3A_156 = arith.muli %mul3A_155, %scan3A_99 : i32
      %add3A_157 = arith.constant 1 : i32
      %add3A_158 = arith.addi %mul3A_156, %add3A_157 : i32
      %get3A_159 = arith.index_cast %add3A_158 : i32 to index
      %get3A_160 = arith.constant 32 : index
      %get3A_161 = tpu.vector_load %arg6[%get3A_159, %get3A_160] {strides = array<i32>} : memref<256x128xf32, #tpu.memory_space<vmem>>, vector<1x16xf32>,
      %get3A_162 = vector.shape_cast %get3A_161 : vector<1x16xf32> to vector<16xf32>
      %lt3A_163 = arith.cmpf olt, %get3A_154, %broadcast_in_dim3A_38 : vector<16xf32>
      %lt3A_164 = arith.cmpf olt, %get3A_162, %broadcast_in_dim3A_38 : vector<16xf32>
      %xor3A_165 = arith.xori %lt3A_163, %lt3A_164 : vector<16xi1>
      %abs3A_166 = math.absf %get3A_154 : vector<16xf32>
      %abs3A_167 = math.absf %get3A_162 : vector<16xf32>
      %min3A_168 = arith.minimumf %abs3A_166, %abs3A_167 : vector<16xf32>
      %eq3A_169 = arith.cmpf oeq, %min3A_168, %broadcast_in_dim3A_38 : vector<16xf32>
      %add3A_170 = arith.addf %abs3A_166, %abs3A_167 : vector<16xf32>
      %select_n3A_171 = arith.select %xor3A_165, %broadcast_in_dim3A_32, %broadcast_in_dim3A_34 : vector<16xi1>, vector<16xf32>
      %mul3A_172 = arith.mulf %select_n3A_171, %add3A_170 : vector<16xf32>
      %select_n3A_173 = arith.select %eq3A_169, %broadcast_in_dim3A_36, %mul3A_172 : vector<16xi1>, vector<16xf32>
      %add3A_174 = arith.addf %scan3A_102, %select_n3A_173 : vector<16xf32>
      %mul3A_175 = arith.constant 2 : i32
      %mul3A_176 = arith.muli %mul3A_175, %scan3A_99 : i32
      %get3A_177 = arith.index_cast %mul3A_176 : i32 to index
      %get3A_178 = arith.constant 48 : index
      %get3A_179 = tpu.vector_load %arg6[%get3A_177, %get3A_178] {strides = array<i32>} : memref<256x128xf32, #tpu.memory_space<vmem>>, vector<1x16xf32>,
      %get3A_180 = vector.shape_cast %get3A_179 : vector<1x16xf32> to vector<16xf32>
      %mul3A_181 = arith.constant 2 : i32
      %mul3A_182 = arith.muli %mul3A_181, %scan3A_99 : i32
      %add3A_183 = arith.constant 1 : i32
      %add3A_184 = arith.addi %mul3A_182, %add3A_183 : i32
      %get3A_185 = arith.index_cast %add3A_184 : i32 to index
      %get3A_186 = arith.constant 48 : index
      %get3A_187 = tpu.vector_load %arg6[%get3A_185, %get3A_186] {strides = array<i32>} : memref<256x128xf32, #tpu.memory_space<vmem>>, vector<1x16xf32>,
      %get3A_188 = vector.shape_cast %get3A_187 : vector<1x16xf32> to vector<16xf32>
      %lt3A_189 = arith.cmpf olt, %get3A_180, %broadcast_in_dim3A_38 : vector<16xf32>
      %lt3A_190 = arith.cmpf olt, %get3A_188, %broadcast_in_dim3A_38 : vector<16xf32>
      %xor3A_191 = arith.xori %lt3A_189, %lt3A_190 : vector<16xi1>
      %abs3A_192 = math.absf %get3A_180 : vector<16xf32>
      %abs3A_193 = math.absf %get3A_188 : vector<16xf32>
      %min3A_194 = arith.minimumf %abs3A_192, %abs3A_193 : vector<16xf32>
      %eq3A_195 = arith.cmpf oeq, %min3A_194, %broadcast_in_dim3A_38 : vector<16xf32>
      %add3A_196 = arith.addf %abs3A_192, %abs3A_193 : vector<16xf32>
      %select_n3A_197 = arith.select %xor3A_191, %broadcast_in_dim3A_32, %broadcast_in_dim3A_34 : vector<16xi1>, vector<16xf32>
      %mul3A_198 = arith.mulf %select_n3A_197, %add3A_196 : vector<16xf32>
      %select_n3A_199 = arith.select %eq3A_195, %broadcast_in_dim3A_36, %mul3A_198 : vector<16xi1>, vector<16xf32>
      %add3A_200 = arith.addf %scan3A_103, %select_n3A_199 : vector<16xf32>
      %mul3A_201 = arith.constant 2 : i32
      %mul3A_202 = arith.muli %mul3A_201, %scan3A_99 : i32
      %get3A_203 = arith.index_cast %mul3A_202 : i32 to index
      %get3A_204 = arith.constant 64 : index
      %get3A_205 = tpu.vector_load %arg6[%get3A_203, %get3A_204] {strides = array<i32>} : memref<256x128xf32, #tpu.memory_space<vmem>>, vector<1x16xf32>,
      %get3A_206 = vector.shape_cast %get3A_205 : vector<1x16xf32> to vector<16xf32>
      %mul3A_207 = arith.constant 2 : i32
      %mul3A_208 = arith.muli %mul3A_207, %scan3A_99 : i32
      %add3A_209 = arith.constant 1 : i32
      %add3A_210 = arith.addi %mul3A_208, %add3A_209 : i32
      %get3A_211 = arith.index_cast %add3A_210 : i32 to index
      %get3A_212 = arith.constant 64 : index
      %get3A_213 = tpu.vector_load %arg6[%get3A_211, %get3A_212] {strides = array<i32>} : memref<256x128xf32, #tpu.memory_space<vmem>>, vector<1x16xf32>,
      %get3A_214 = vector.shape_cast %get3A_213 : vector<1x16xf32> to vector<16xf32>
      %lt3A_215 = arith.cmpf olt, %get3A_206, %broadcast_in_dim3A_38 : vector<16xf32>
      %lt3A_216 = arith.cmpf olt, %get3A_214, %broadcast_in_dim3A_38 : vector<16xf32>
      %xor3A_217 = arith.xori %lt3A_215, %lt3A_216 : vector<16xi1>
      %abs3A_218 = math.absf %get3A_206 : vector<16xf32>
      %abs3A_219 = math.absf %get3A_214 : vector<16xf32>
      %min3A_220 = arith.minimumf %abs3A_218, %abs3A_219 : vector<16xf32>
      %eq3A_221 = arith.cmpf oeq, %min3A_220, %broadcast_in_dim3A_38 : vector<16xf32>
      %add3A_222 = arith.addf %abs3A_218, %abs3A_219 : vector<16xf32>
      %select_n3A_223 = arith.select %xor3A_217, %broadcast_in_dim3A_32, %broadcast_in_dim3A_34 : vector<16xi1>, vector<16xf32>
      %mul3A_224 = arith.mulf %select_n3A_223, %add3A_222 : vector<16xf32>
      %select_n3A_225 = arith.select %eq3A_221, %broadcast_in_dim3A_36, %mul3A_224 : vector<16xi1>, vector<16xf32>
      %add3A_226 = arith.addf %add3A_122, %select_n3A_225 : vector<16xf32>
      %mul3A_227 = arith.constant 2 : i32
      %mul3A_228 = arith.muli %mul3A_227, %scan3A_99 : i32
      %get3A_229 = arith.index_cast %mul3A_228 : i32 to index
      %get3A_230 = arith.constant 80 : index
      %get3A_231 = tpu.vector_load %arg6[%get3A_229, %get3A_230] {strides = array<i32>} : memref<256x128xf32, #tpu.memory_space<vmem>>, vector<1x16xf32>,
      %get3A_232 = vector.shape_cast %get3A_231 : vector<1x16xf32> to vector<16xf32>
      %mul3A_233 = arith.constant 2 : i32
      %mul3A_234 = arith.muli %mul3A_233, %scan3A_99 : i32
      %add3A_235 = arith.constant 1 : i32
      %add3A_236 = arith.addi %mul3A_234, %add3A_235 : i32
      %get3A_237 = arith.index_cast %add3A_236 : i32 to index
      %get3A_238 = arith.constant 80 : index
      %get3A_239 = tpu.vector_load %arg6[%get3A_237, %get3A_238] {strides = array<i32>} : memref<256x128xf32, #tpu.memory_space<vmem>>, vector<1x16xf32>,
      %get3A_240 = vector.shape_cast %get3A_239 : vector<1x16xf32> to vector<16xf32>
      %lt3A_241 = arith.cmpf olt, %get3A_232, %broadcast_in_dim3A_38 : vector<16xf32>
      %lt3A_242 = arith.cmpf olt, %get3A_240, %broadcast_in_dim3A_38 : vector<16xf32>
      %xor3A_243 = arith.xori %lt3A_241, %lt3A_242 : vector<16xi1>
      %abs3A_244 = math.absf %get3A_232 : vector<16xf32>
      %abs3A_245 = math.absf %get3A_240 : vector<16xf32>
      %min3A_246 = arith.minimumf %abs3A_244, %abs3A_245 : vector<16xf32>
      %eq3A_247 = arith.cmpf oeq, %min3A_246, %broadcast_in_dim3A_38 : vector<16xf32>
      %add3A_248 = arith.addf %abs3A_244, %abs3A_245 : vector<16xf32>
      %select_n3A_249 = arith.select %xor3A_243, %broadcast_in_dim3A_32, %broadcast_in_dim3A_34 : vector<16xi1>, vector<16xf32>
      %mul3A_250 = arith.mulf %select_n3A_249, %add3A_248 : vector<16xf32>
      %select_n3A_251 = arith.select %eq3A_247, %broadcast_in_dim3A_36, %mul3A_250 : vector<16xi1>, vector<16xf32>
      %add3A_252 = arith.addf %add3A_148, %select_n3A_251 : vector<16xf32>
      %mul3A_253 = arith.constant 2 : i32
      %mul3A_254 = arith.muli %mul3A_253, %scan3A_99 : i32
      %get3A_255 = arith.index_cast %mul3A_254 : i32 to index
      %get3A_256 = arith.constant 96 : index
      %get3A_257 = tpu.vector_load %arg6[%get3A_255, %get3A_256] {strides = array<i32>} : memref<256x128xf32, #tpu.memory_space<vmem>>, vector<1x16xf32>,
      %get3A_258 = vector.shape_cast %get3A_257 : vector<1x16xf32> to vector<16xf32>
      %mul3A_259 = arith.constant 2 : i32
      %mul3A_260 = arith.muli %mul3A_259, %scan3A_99 : i32
      %add3A_261 = arith.constant 1 : i32
      %add3A_262 = arith.addi %mul3A_260, %add3A_261 : i32
      %get3A_263 = arith.index_cast %add3A_262 : i32 to index
      %get3A_264 = arith.constant 96 : index
      %get3A_265 = tpu.vector_load %arg6[%get3A_263, %get3A_264] {strides = array<i32>} : memref<256x128xf32, #tpu.memory_space<vmem>>, vector<1x16xf32>,
      %get3A_266 = vector.shape_cast %get3A_265 : vector<1x16xf32> to vector<16xf32>
      %lt3A_267 = arith.cmpf olt, %get3A_258, %broadcast_in_dim3A_38 : vector<16xf32>
      %lt3A_268 = arith.cmpf olt, %get3A_266, %broadcast_in_dim3A_38 : vector<16xf32>
      %xor3A_269 = arith.xori %lt3A_267, %lt3A_268 : vector<16xi1>
      %abs3A_270 = math.absf %get3A_258 : vector<16xf32>
      %abs3A_271 = math.absf %get3A_266 : vector<16xf32>
      %min3A_272 = arith.minimumf %abs3A_270, %abs3A_271 : vector<16xf32>
      %eq3A_273 = arith.cmpf oeq, %min3A_272, %broadcast_in_dim3A_38 : vector<16xf32>
      %add3A_274 = arith.addf %abs3A_270, %abs3A_271 : vector<16xf32>
      %select_n3A_275 = arith.select %xor3A_269, %broadcast_in_dim3A_32, %broadcast_in_dim3A_34 : vector<16xi1>, vector<16xf32>
      %mul3A_276 = arith.mulf %select_n3A_275, %add3A_274 : vector<16xf32>
      %select_n3A_277 = arith.select %eq3A_273, %broadcast_in_dim3A_36, %mul3A_276 : vector<16xi1>, vector<16xf32>
      %add3A_278 = arith.addf %add3A_174, %select_n3A_277 : vector<16xf32>
      %mul3A_279 = arith.constant 2 : i32
      %mul3A_280 = arith.muli %mul3A_279, %scan3A_99 : i32
      %get3A_281 = arith.index_cast %mul3A_280 : i32 to index
      %get3A_282 = arith.constant 112 : index
      %get3A_283 = tpu.vector_load %arg6[%get3A_281, %get3A_282] {strides = array<i32>} : memref<256x128xf32, #tpu.memory_space<vmem>>, vector<1x16xf32>,
      %get3A_284 = vector.shape_cast %get3A_283 : vector<1x16xf32> to vector<16xf32>
      %mul3A_285 = arith.constant 2 : i32
      %mul3A_286 = arith.muli %mul3A_285, %scan3A_99 : i32
      %add3A_287 = arith.constant 1 : i32
      %add3A_288 = arith.addi %mul3A_286, %add3A_287 : i32
      %get3A_289 = arith.index_cast %add3A_288 : i32 to index
      %get3A_290 = arith.constant 112 : index
      %get3A_291 = tpu.vector_load %arg6[%get3A_289, %get3A_290] {strides = array<i32>} : memref<256x128xf32, #tpu.memory_space<vmem>>, vector<1x16xf32>,
      %get3A_292 = vector.shape_cast %get3A_291 : vector<1x16xf32> to vector<16xf32>
      %lt3A_293 = arith.cmpf olt, %get3A_284, %broadcast_in_dim3A_38 : vector<16xf32>
      %lt3A_294 = arith.cmpf olt, %get3A_292, %broadcast_in_dim3A_38 : vector<16xf32>
      %xor3A_295 = arith.xori %lt3A_293, %lt3A_294 : vector<16xi1>
      %abs3A_296 = math.absf %get3A_284 : vector<16xf32>
      %abs3A_297 = math.absf %get3A_292 : vector<16xf32>
      %min3A_298 = arith.minimumf %abs3A_296, %abs3A_297 : vector<16xf32>
      %eq3A_299 = arith.cmpf oeq, %min3A_298, %broadcast_in_dim3A_38 : vector<16xf32>
      %add3A_300 = arith.addf %abs3A_296, %abs3A_297 : vector<16xf32>
      %select_n3A_301 = arith.select %xor3A_295, %broadcast_in_dim3A_32, %broadcast_in_dim3A_34 : vector<16xi1>, vector<16xf32>
      %mul3A_302 = arith.mulf %select_n3A_301, %add3A_300 : vector<16xf32>
      %select_n3A_303 = arith.select %eq3A_299, %broadcast_in_dim3A_36, %mul3A_302 : vector<16xi1>, vector<16xf32>
      %add3A_304 = arith.addf %add3A_200, %select_n3A_303 : vector<16xf32>
      scf.yield %add3A_226, %add3A_252, %add3A_278, %add3A_304 : vector<16xf32>, vector<16xf32>, vector<16xf32>, vector<16xf32>
    }
    %scan3A_92 = arith.constant 48 : i32
    %add3A_93 = arith.addf %scan3A_91#0, %scan3A_91#1 : vector<16xf32>
    %add3A_94 = arith.addf %scan3A_91#2, %scan3A_91#3 : vector<16xf32>
    %add3A_95 = arith.addf %add3A_93, %add3A_94 : vector<16xf32>
    %swap3A = arith.constant 0 : index
    %swap3A_96 = tpu.vector_load %arg7[%swap3A] {strides = array<i32>} : memref<16xf32, #tpu.memory_space<vmem>>, vector<16xf32>,
    %swap3A_97 = vector.shape_cast %swap3A_96 : vector<16xf32> to vector<16xf32>
    %swap3A_98 = vector.shape_cast %add3A_95 : vector<16xf32> to vector<16xf32>
    tpu.vector_store %arg7[%swap3A], %swap3A_98 {strides = array<i32>} : memref<16xf32, #tpu.memory_space<vmem>>, vector<16xf32>,
    "tpu.region"() ({
      %run_scoped3A = tpu.sem_alloc : memref<!tpu.dma_semaphore, #tpu.memory_space<semaphore_mem>>
      %dma_start3A_99 = arith.constant 0 : i32
      %dma_start3A_100 = tpu.memref_slice %arg4[%add3A, %dma_start3A_99] : memref<32x16xf32, #tpu.memory_space<hbm>> -> memref<1x16xf32, #tpu.memory_space<hbm>>
      %dma_start3A_101 = tpu.memref_squeeze %dma_start3A_100 : memref<1x16xf32, #tpu.memory_space<hbm>> -> memref<16xf32, #tpu.memory_space<hbm>>
      %dma_start3A_102 = arith.constant 0 : i32
      %dma_start3A_103 = tpu.memref_slice %arg4[%add3A, %dma_start3A_102] : memref<32x16xf32, #tpu.memory_space<hbm>> -> memref<1x16xf32, #tpu.memory_space<hbm>>
      %dma_start3A_104 = tpu.memref_squeeze %dma_start3A_103 : memref<1x16xf32, #tpu.memory_space<hbm>> -> memref<16xf32, #tpu.memory_space<hbm>>
      tpu.enqueue_dma source(%arg7 : memref<16xf32, #tpu.memory_space<vmem>>) target(%dma_start3A_104 : memref<16xf32, #tpu.memory_space<hbm>>) target_semaphore(%run_scoped3A : memref<!tpu.dma_semaphore, #tpu.memory_space<semaphore_mem>>)
      %dma_wait3A_105 = arith.constant 0 : i32
      %dma_wait3A_106 = tpu.memref_slice %arg4[%add3A, %dma_wait3A_105] : memref<32x16xf32, #tpu.memory_space<hbm>> -> memref<1x16xf32, #tpu.memory_space<hbm>>
      %dma_wait3A_107 = tpu.memref_squeeze %dma_wait3A_106 : memref<1x16xf32, #tpu.memory_space<hbm>> -> memref<16xf32, #tpu.memory_space<hbm>>
      %dma_wait3A_108 = arith.constant 0 : i32
      %dma_wait3A_109 = tpu.memref_slice %arg4[%add3A, %dma_wait3A_108] : memref<32x16xf32, #tpu.memory_space<hbm>> -> memref<1x16xf32, #tpu.memory_space<hbm>>
      %dma_wait3A_110 = tpu.memref_squeeze %dma_wait3A_109 : memref<1x16xf32, #tpu.memory_space<hbm>> -> memref<16xf32, #tpu.memory_space<hbm>>
      tpu.wait_dma2 semaphore(%run_scoped3A : memref<!tpu.dma_semaphore, #tpu.memory_space<semaphore_mem>>) src(%arg7 : memref<16xf32, #tpu.memory_space<vmem>>) dst(%dma_wait3A_110 : memref<16xf32, #tpu.memory_space<hbm>>)
      tpu.yield
    }) : () -> ()
    return
  }
}

</mosaic_0001>

<sc_bundles>
// kernel: kernel.3.cloned.1.call-start
scs
__scs_entry_jumppad:
0x0: {  	(pc) =	sbr.rel $0x88, $3  }
0x1: {  	(tag) =	ssettag $0x0;
	lr =	simm.s32 $0x1  }
0x2: {  	[smem:$0x3F9F] =	sst lr;
	_ =	strace $0xD0000000  }
0x3: {  	_ = 	snop  }
0x4: {  	_ = 	snop  }
0x5: {  	_ = 	snop  }
0x6: {  	_ = 	snop  }
0x7: {  	_ = 	snop  }
__scs_overlays_trampoline_lowered:
0x8: {  	[smem:$0x3FAE] =	sst s0  }
0x9: {  	[smem:$0x3FAF] =	sst s1  }
0xa: {  	[smem:$0x3FB0] =	sst s2  }
0xb: {  	[smem:$0x3FB1] =	sst s3  }
0xc: {  	[smem:$0x3FB2] =	sst s4  }
0xd: {  	[smem:$0x3FB3] =	sst s5  }
0xe: {  	[smem:$0x3FB4] =	sst s6  }
0xf: {  	[smem:$0x3FB5] =	sst s7  }
0x10: {  	[smem:$0x3FB6] =	sst s8  }
0x11: {  	[smem:$0x3FB7] =	sst s9;
	s0 =	simm.s32 @!p0 $0x0  }
0x12: {  	s1 =	sld [smem:$0x3F9D];
	s0 =	simm.s32 @p0 $0x1  }
0x13: {  	[smem:$0x3FB8] =	sst s0;
	s0 =	simm.s32 @!p1 $0x0  }
0x14: {  	s2 =	sld [smem:$0x3F9C];
	s0 =	simm.s32 @p1 $0x1  }
0x15: {  	[smem:$0x3FB9] =	sst s0;
	s0 =	simm.s32 @!p2 $0x0  }
0x16: {  	s3 =	sld [smem:$0x3FDB];
	s0 =	simm.s32 @p2 $0x1  }
0x17: {  	s4 =	simm.s32 $0x1BF5;
	[smem:$0x3FBB] =	sst s0  }
0x18: {  	s0 =	sld [smem:$0x3F9E];
	_ =	swait.ge [sflag:s4], $0x0  }
0x19: {  	s7 =	sld [smem:$0x3F9F]  }
0x1a: {  	s8 =	sadd.s32 $0xFFFFE003, lr  }
0x1b: {  	s9 =	sadd.s32 $0xFFFFFEF7, lr;
	s5 =	simm.s32 $0xFFFFFFFF;
	p2 =	slt.u32 s8, $0xFFFFF086  }
0x1c: {  	p1 =	slt.u32 s9, $0xF7A;
	s5 =	simm.s32 @!p2 $0x0  }
0x1d: {  	s5 =	simm.s32 @p1 $0x1;
	p0 =	seq.s32 s7, s2  }
0x1e: {  	s7 =	smul.u32 @!p0 $0xF7A, s2;
	p2 =	seq.s32 @!p0 s5, $0x0  }
0x1f: {  	s9 =	smul.u32 $0xF7A, s1;
	s8 =	simm.s32 @!p0 $0x1BF5;
	p2 =	por !p2, p0  }
0x20: {  	[sflag:s8] =	ssyncset.s32 @!p0 $0xFFFFF086;
	s6 =	sadd.s32 @!p0 s3, s7;
	s7 =	simm.s32 @!p0 $0x108  }
0x21: {  	s3 =	sadd.s32 s3, s9;
	s6 =	sadd.s32 @!p0 $0x88, s6;
	s7 =	simm.s32 @p2 $0x1082  }
0x22: {  	[simem:s7], [sflag:s8] =	dma.local @!p0 [hbm:s6], $0xF7A  }
0x23: {  	s9 =	sor.u32 $0xD0000000, s2;
	s6 =	simm.s32 $0x108;
	_ =	swait.ge @!p0 [sflag:s8], $0x0  }
0x24: {  	s3 =	sadd.s32 $0x88, s3;
	s6 =	simm.s32 @!p1 $0x1082;
	[sflag:s4] =	ssyncset.s32 $0xFFFFF086  }
0x25: {  	[simem:s6], [sflag:s4] =	dma.local [hbm:s3], $0xF7A  }
0x26: {  	[smem:$0x3F9F] =	sst s1;
	(tag) =	ssettag s2;
	_ =	strace s9  }
0x27: {  	s1 =	sld [smem:$0x3FAF]  }
0x28: {  	s2 =	sld [smem:$0x3FB0]  }
0x29: {  	s4 =	sld [smem:$0x3FB2]  }
0x2a: {  	p0 =	seq.s32 s5, $0x0;
	s5 =	sld [smem:$0x3FB3]  }
0x2b: {  	s6 =	sld [smem:$0x3FB4]  }
0x2c: {  	s7 =	sld [smem:$0x3FB5]  }
0x2d: {  	s3 =	simm.s32 $0x108;
	s8 =	sld [smem:$0x3FB6]  }
0x2e: {  	s3 =	simm.s32 @!p0 $0x1082;
	s9 =	sld [smem:$0x3FB7]  }
0x2f: {  	lr =	sadd.s32 s0, s3;
	s0 =	sld [smem:$0x3FAE]  }
0x30: {  	s3 =	sld [smem:$0x3FB1]  }
0x31: {  	[smem:$0x3FBA] =	sst s10  }
0x32: {  	s10 =	sld [smem:$0x3FB8];
	_ =	sdelay $0x3  }
0x33: {  	p0 =	seq.s32 s10, $0x1;
	s10 =	sld [smem:$0x3FBA];
	_ =	sdelay $0x3  }
0x34: {  	[smem:$0x3FBA] =	sst s10  }
0x35: {  	s10 =	sld [smem:$0x3FB9];
	_ =	sdelay $0x3  }
0x36: {  	p1 =	seq.s32 s10, $0x1;
	s10 =	sld [smem:$0x3FBA];
	_ =	sdelay $0x3  }
0x37: {  	[smem:$0x3FBA] =	sst s10  }
0x38: {  	s10 =	sld [smem:$0x3FBB]  }
0x39: {  	_ = 	snop;
	(pc) =	sbr.ind lr, $3  }
0x3a: {  	_ = 	snop  }
0x3b: {  	_ = 	snop  }
0x3c: {  	p2 =	seq.s32 s10, $0x1;
	s10 =	sld [smem:$0x3FBA]  }
0x3d: {  	_ =	shalt  }
0x3e: {  	_ =	shalt  }
0x3f: {  	_ =	shalt  }
0x40: {  	_ =	shalt  }
0x41: {  	_ =	shalt  }
0x42: {  	_ =	shalt  }
0x43: {  	_ =	shalt  }
0x44: {  	_ =	shalt  }
0x45: {  	_ =	shalt  }
0x46: {  	_ =	shalt  }
0x47: {  	_ =	shalt  }
0x48: {  	_ =	shalt  }
0x49: {  	_ =	shalt  }
0x4a: {  	_ =	shalt  }
0x4b: {  	_ =	shalt  }
0x4c: {  	_ =	shalt  }
0x4d: {  	_ =	shalt  }
0x4e: {  	_ =	shalt  }
0x4f: {  	_ =	shalt  }
0x50: {  	_ =	shalt  }
0x51: {  	_ =	shalt  }
0x52: {  	_ =	shalt  }
0x53: {  	_ =	shalt  }
0x54: {  	_ =	shalt  }
0x55: {  	_ =	shalt  }
0x56: {  	_ =	shalt  }
0x57: {  	_ =	shalt  }
0x58: {  	_ =	shalt  }
0x59: {  	_ =	shalt  }
0x5a: {  	_ =	shalt  }
0x5b: {  	_ =	shalt  }
0x5c: {  	_ =	shalt  }
0x5d: {  	_ =	shalt  }
0x5e: {  	_ =	shalt  }
0x5f: {  	_ =	shalt  }
0x60: {  	_ =	shalt  }
0x61: {  	_ =	shalt  }
0x62: {  	_ =	shalt  }
0x63: {  	_ =	shalt  }
0x64: {  	_ =	shalt  }
0x65: {  	_ =	shalt  }
0x66: {  	_ =	shalt  }
0x67: {  	_ =	shalt  }
0x68: {  	_ =	shalt  }
0x69: {  	_ =	shalt  }
0x6a: {  	_ =	shalt  }
0x6b: {  	_ =	shalt  }
0x6c: {  	_ =	shalt  }
0x6d: {  	_ =	shalt  }
0x6e: {  	_ =	shalt  }
0x6f: {  	_ =	shalt  }
0x70: {  	_ =	shalt  }
0x71: {  	_ =	shalt  }
0x72: {  	_ =	shalt  }
0x73: {  	_ =	shalt  }
0x74: {  	_ =	shalt  }
0x75: {  	_ =	shalt  }
0x76: {  	_ =	shalt  }
0x77: {  	_ =	shalt  }
0x78: {  	_ =	shalt  }
0x79: {  	_ =	shalt  }
0x7a: {  	_ =	shalt  }
0x7b: {  	_ =	shalt  }
0x7c: {  	_ =	shalt  }
0x7d: {  	_ =	shalt  }
0x7e: {  	_ =	shalt  }
0x7f: {  	_ =	shalt  }
0x80: {  	_ =	shalt  }
0x81: {  	_ =	shalt  }
0x82: {  	_ =	shalt  }
0x83: {  	_ =	shalt  }
0x84: {  	_ =	shalt  }
0x85: {  	_ =	shalt  }
0x86: {  	_ =	shalt  }
0x87: {  	_ =	shalt  }
.Lfunc_end0:
.L_simem_size_0:
called_computation_lowered:
.L_overlay_start_0:
0x88: {  	s2 =	sld [smem:$0x3FD9]  }
0x89: {  	s3 =	sld [smem:$0x3FFE];
	_ =	sdelay $0x1  }
0x8a: {  	s1 =	srdreg.scid  }
0x8b: {  	s0 =	sand.u32 $0x1, s1  }
0x8c: {  	s17 =	sshll.u32 s0, $0xA;
	s2 =	sadd.s32 s3, s2  }
0x8d: {  	s2 =	sadd.s32 s2, s17  }
0x8e: {  	[smem:$0x3FC6] =	sst s2  }
0x8f: {  	_ = 	snop  }
0x90: {  	s2 =	sld [smem:$0x3FC9];
	(tm) =	ssettm $0x1  }
0x91: {  	s18 =	sld [smem:$0x3FFB];
	_ =	sdelay $0x3  }
0x92: {  	_ =	strace s18  }
0x93: {  	s3 =	sld [smem:$0x3FFC];
	_ =	sdelay $0x3  }
0x94: {  	_ =	strace s3  }
0x95: {  	s3 =	sld [smem:$0x3FFD];
	_ =	sdelay $0x3  }
0x96: {  	_ =	strace s3  }
0x97: {  	_ =	strace $0x8FFFFFFF  }
0x98: {  	s19 =	sld [smem:$0x3FDB];
	_ =	sdelay $0x1  }
0x99: {  	s4 =	simm.s32 $_scs_section_size  }
0x9a: {  	s5 =	simm.s32 $_size__tile_overlayer_lowered;
	s6 =	simm.s32 $_tile_overlayer_lowered  }
0x9b: {  	s22 =	simm.s32 $0x1BFF;
	s21 =	sshll.u32 s6, $0x1;
	s3 =	sadd.s32 s4, s19  }
0x9c: {  	s7 =	simm.s32 $0x0;
	s20 =	sshll.u32 s5, $0x1;
	s5 =	sadd.s32 s21, s3  }
0x9d: {  	[timem:s7], [sflag:s22] =	dma.local [hbm:s5], s20  }
0x9e: {  	_ =	swait.ge [sflag:s22], s20  }
0x9f: {  	s4 =	ssub.s32 $0x0, s20;
	[sflag:s22] =	ssyncset.done $0x0  }
0xa0: {  	[sflag:s22] =	ssyncadd.s32 s4;
	_ =	sdelay $0x1  }
0xa1: {  	s23 =	simm.s32 $0x1B8B  }
0xa2: {  	_ =	swait.ge [sflag:s23], $0x1  }
0xa3: {  	[sflag:s23] =	ssyncset.done $0x0  }
0xa4: {  	s25 =	simm.s32 $0x1B8E;
	s24 =	sld [smem:$0x3FFE];
	[sflag:s23] =	ssyncadd.s32 $0xFFFFFFFF  }
0xa5: {  	s26 =	simm.s32 $execute0_lowered;
	[smem:$0x3FD2] =	sst s25  }
0xa6: {  	s5 =	sshll.u32 s26, $0x1;
	_ =	strace $0x80000046;
	[dreg:$0x1] =	wrdreg $0xFFFFFFFF  }
0xa7: {  	s28 =	simm.s32 $_size_execute0_lowered;
	s3 =	sadd.s32 s3, s5;
	[dreg:$0x0] =	wrdreg $0x0  }
0xa8: {  	s5 =	sshll.u32 s28, $0x1;
	[dreg:$0x2] =	wrdreg s3  }
0xa9: {  	[dreg:$0x3] =	wrdreg s5  }
0xaa: {  	[dreg:$0x4] =	wrdreg $0xC0  }
0xab: {  	_ =	task [dreg:s7], $0x5FFFF  }
0xac: {  	[dreg:$0x1] =	wrdreg $0xFFFFFFFF  }
0xad: {  	[dreg:$0x0] =	wrdreg $0x60  }
0xae: {  	[dreg:$0x2] =	wrdreg s2  }
0xaf: {  	[dreg:$0x3] =	wrdreg s24  }
0xb0: {  	[dreg:$0x4] =	wrdreg $0x9  }
0xb1: {  	_ =	task.clear_ibuf [dreg:s7], $0x5FFFF;
	_ =	strace $0x90000046  }
0xb2: {  	s29 =	simm.s32 $0x9;
	_ =	strace $0x80000048  }
0xb3: {  	_ =	swait.ge [sflag:s29], $0x1  }
0xb4: {  	[sflag:s29] =	ssyncadd.s32 $0xFFFFFFFF  }
0xb5: {  	_ =	strace $0x90000048  }
0xb6: {  	_ =	sfence  }
0xb7: {  	s30 =	sld [smem:$0x0];
	_ =	sdelay $0x2  }
0xb8: {  	s31 =	sshll.u32 s1, $0xD;
	s1 =	sshrl.u32 s1, $0x2  }
0xb9: {  	s3 =	sand.u32 $0x4000, s31;
	s1 =	sadd.s32 s1, s30  }
0xba: {  	s0 =	sor.u32 s3, s0;
	s1 =	sshll.u32 s1, $0x11  }
0xbb: {  	s0 =	sor.u32 s1, s0  }
0xbc: {  	s0 =	sadd.s32 $0x8F2B, s0  }
0xbd: {  	[sflag:s0] =	ssyncadd.remote.s32 $0x1  }
0xbe: {  	_ =	sfence.sel $0xFFFF  }
0xbf: {  	[dreg:$0x0] =	wrdreg $0xFFFFFFFF;
	(pc) =	sbr.abs _section_cstart, $3  }
0xc0: {  	[dreg:$0x1] =	wrdreg $0xFFFFFFFF  }
0xc1: {  	_ =	task.clear_ibuf [dreg:s7], $0x2FFFF;
	_ =	strace $0x9FFFFFFF  }
0xc2: {  	(tm) =	ssettm $0x7FFFFFFF  }
0xc3: {  	_ =	shalt  }
tec
execute0_lowered:
.L_overlay_start_1:
0x0: {  	(tag) =	ssettag $0x1  }
0x1: {  	s1 =	rddreg [dreg:$0x0]  }
0x2: {  	s4 =	rddreg [dreg:$0x1]  }
0x3: {  	s0 =	rddreg [dreg:$0x2]  }
0x4: {  	s3 =	simm.s32 $0x0;
	s5 =	srdreg.scid;
	s2 =	stileid.u32  }
0x5: {  	s10 =	simm.s32 $0x10;
	s11 =	simm.s32 $0x100;
	s12 =	simm.s32 $0x30  }
0x6: {  	s13 =	simm.s32 $0x900;
	s14 =	simm.s32 $0x60;
	s15 =	simm.s32 $0x40  }
0x7: {  	s16 =	simm.s32 $0x2100;
	s17 =	simm.s32 $0xA0;
	s18 =	simm.s32 $0x5100  }
0x8: {  	s19 =	simm.s32 $0x1;
	s20 =	simm.s32 $0x8100;
	s21 =	simm.s32 $0x0  }
0x9: {  	[smem:$0x7FF] =	sst s3;
	s5 =	sand.u32 $0x1, s5;
	s6 =	sshll.u32 s2, $0x8  }
0xa: {  	s7 =	sshrl.u32 s2, $0x2;
	s8 =	sshll.u32 s5, $0x7;
	s6 =	sand.u32 $0x300, s6  }
0xb: {  	_ =	strace $0x80000047;
	s28 =	sshll.u32 s7, $0xA;
	s5 =	ssub.s32 $0x2, s5  }
0xc: {  	s7 =	sshll.u32 s7, $0xB;
	s6 =	sor.u32 s8, s6;
	s9 =	sshrl.u32 s5, $0x1  }
0xd: {  	s8 =	sor.u32 s28, s6;
	s6 =	sor.u32 s7, s6;
	s30 =	ssub.s32 s5, s9  }
0xe: {  	s7 =	simm.s32 $0x80;
	s9 =	simm.s32 $0x2;
	s8 =	sshrl.u32 s8, $0x3  }
0xf: {  	s31 =	sshrl.u32 s6, $0x3;
	s6 =	smax.u32 s30, $0x1;
	s29 =	sadd.s32 s8, s4  }
0x10: {  	v0 =	vimm.f32 $1.000000000e+00;
	s4 =	sadd.s32 s4, s31;
	s8 =	simm.s32 $0x400;
	s5 =	sadd.s32 $0x400, s29  }
.LBB2_1:
0x11: {  	[tilespmem:s3], [sflag:$0x2] =	stream.strided.gather [hbm4b:s4+s7], $0x100, s8, s7, $0x38;
	[tilespmem:$0x8180] =	vst v63  }
0x12: {  	_ =	swait.ge [sflag:s9], $0x100  }
0x13: {  	[sflag:s9] =	ssyncset.done $0x0  }
0x14: {  	[sflag:s9] =	ssyncadd.s32 $0xFFFFFF00  }
0x15: {  	[tilespmem:s11], [sflag:$0x1] =	stream.indirect.gather [hbm4b:s1+s10], $0x80, s3, s10, $0xb8;
	[tilespmem:$0x8180] =	vst v63  }
0x16: {  	_ = 	snop  }
0x17: {  	[tilespmem:s13], [sflag:$0x1] =	stream.indirect.gather [hbm4b:s1+s12], $0x80, s10, s12, $0xb8;
	[tilespmem:$0x8180] =	vst v63  }
0x18: {  	_ = 	snop  }
0x19: {  	[tilespmem:s16], [sflag:$0x1] =	stream.indirect.gather [hbm4b:s1+s14], $0x80, s15, s14, $0xb8;
	[tilespmem:$0x8180] =	vst v63  }
0x1a: {  	_ = 	snop  }
0x1b: {  	[tilespmem:s18], [sflag:$0x1] =	stream.indirect.gather [hbm4b:s1+s14], $0x80, s17, s14, $0xb8;
	[tilespmem:$0x8180] =	vst v63  }
0x1c: {  	_ =	swait.ge [sflag:s19], $0x800  }
0x1d: {  	[sflag:s19] =	ssyncset.done $0x0  }
0x1e: {  	s22 =	simm.s32 $0x0;
	[sflag:s19] =	ssyncadd.s32 $0xFFFFF800  }
0x1f: {  	v2 =	vld [tilespmem:s22+$0x140]  }
0x20: {  	v3 =	vld [tilespmem:s22+$0x1C0]  }
0x21: {  	v4 =	vld [tilespmem:s22+$0x150]  }
0x22: {  	v5 =	vld [tilespmem:s22+$0x1D0]  }
0x23: {  	v6 =	vld [tilespmem:s22+$0x160]  }
0x24: {  	v7 =	vld [tilespmem:s22+$0x1E0]  }
0x25: {  	v8 =	vld [tilespmem:s22+$0x170]  }
0x26: {  	v9 =	vld [tilespmem:s22+$0x1F0]  }
0x27: {  	v10 =	vld [tilespmem:s22+$0x100]  }
0x28: {  	v11 =	vld [tilespmem:s22+$0x180]  }
0x29: {  	v1 =	vimm.f32 $0.0e+00;
	v12 =	vld [tilespmem:s22+$0x110];
	vm2 =	vlt.f32 v2, $0.0e+00  }
0x2a: {  	v13 =	vld [tilespmem:s22+$0x190];
	vm1 =	vlt.f32 v3, $0.0e+00;
	v2 =	vand.u32 $0x7FFFFFFF, v2;
	v3 =	vand.u32 $0x7FFFFFFF, v3  }
0x2b: {  	v14 =	vld [tilespmem:s22+$0x120];
	vm3 =	vlt.f32 v4, $0.0e+00;
	vm4 =	vlt.f32 v5, $0.0e+00;
	v4 =	vand.u32 $0x7FFFFFFF, v4  }
0x2c: {  	v15 =	vld [tilespmem:s22+$0x1A0];
	v5 =	vand.u32 $0x7FFFFFFF, v5;
	vm5 =	vlt.f32 v6, $0.0e+00;
	vm6 =	vlt.f32 v7, $0.0e+00  }
0x2d: {  	v16 =	vld [tilespmem:s22+$0x130];
	v6 =	vand.u32 $0x7FFFFFFF, v6;
	v7 =	vand.u32 $0x7FFFFFFF, v7;
	vm7 =	vlt.f32 v8, $0.0e+00  }
0x2e: {  	v17 =	vld [tilespmem:s22+$0x1B0];
	vm8 =	vlt.f32 v9, $0.0e+00;
	v8 =	vand.u32 $0x7FFFFFFF, v8;
	v22 =	vand.u32 $0x7FFFFFFF, v9  }
0x2f: {  	vm9 =	vlt.f32 v10, $0.0e+00;
	vm10 =	vlt.f32 v11, $0.0e+00;
	v10 =	vand.u32 $0x7FFFFFFF, v10  }
0x30: {  	v11 =	vand.u32 $0x7FFFFFFF, v11;
	vm11 =	vlt.f32 v12, $0.0e+00;
	vm12 =	vlt.f32 v13, $0.0e+00  }
0x31: {  	v23 =	vand.u32 $0x7FFFFFFF, v12;
	v24 =	vand.u32 $0x7FFFFFFF, v13;
	vm13 =	vlt.f32 v14, $0.0e+00  }
0x32: {  	vm14 =	vlt.f32 v15, $0.0e+00;
	v25 =	vand.u32 $0x7FFFFFFF, v14;
	v26 =	vand.u32 $0x7FFFFFFF, v15  }
0x33: {  	vm15 =	vlt.f32 v16, $0.0e+00;
	vm0 =	vlt.f32 v17, $0.0e+00;
	v12 =	vand.u32 $0x7FFFFFFF, v16  }
0x34: {  	v19 =	vand.u32 $0x7FFFFFFF, v17;
	v20 =	vmin.f32 v2, v3;
	v21 =	vmin.f32 v4, v5  }
0x35: {  	v16 =	vmin.f32 v10, v11;
	v17 =	vmin.f32 v6, v7;
	v18 =	vmin.f32 v8, v22  }
0x36: {  	v13 =	vmin.f32 v23, v24;
	v14 =	vmin.f32 v25, v26;
	v15 =	vmin.f32 v12, v19  }
0x37: {  	vm2 =	vmxor vm2, vm1;
	v9 =	vadd.f32 v3, v2;
	vm3 =	vmxor vm3, vm4  }
0x38: {  	v5 =	vadd.f32 v5, v4;
	vm5 =	vmxor vm5, vm6;
	v7 =	vadd.f32 v7, v6  }
0x39: {  	vm6 =	vmxor vm9, vm10;
	vm4 =	vmxor vm7, vm8;
	v6 =	vadd.f32 v22, v8  }
0x3a: {  	v11 =	vadd.f32 v11, v10;
	vm7 =	vmxor vm11, vm12;
	v8 =	vadd.f32 v24, v23  }
0x3b: {  	vm1 =	vmxor vm13, vm14;
	v10 =	vadd.f32 v26, v25;
	vm0 =	vmxor vm15, vm0  }
0x3c: {  	s22 =	simm.s32 $0x400;
	v4 =	vimm.f32 $0.0e+00;
	v2 =	vimm.f32 $0.0e+00;
	v3 =	vimm.f32 $0.0e+00  }
.LBB2_2:
0x3d: {  	p0 =	sne.s32 s22, $0x1C00;
	v12 =	vadd.f32 v19, v12;
	vm12 =	veq.f32 v20, $0.0e+00;
	vm13 =	veq.f32 v21, $0.0e+00  }
0x3e: {  	vm10 =	veq.f32 v16, $0.0e+00;
	vm9 =	veq.f32 v17, $0.0e+00;
	vm8 =	veq.f32 v18, $0.0e+00  }
0x3f: {  	s23 =	sshra.s32 s22, $0x2;
	vm14 =	veq.f32 v13, $0.0e+00;
	vm15 =	veq.f32 v14, $0.0e+00;
	vm11 =	veq.f32 v15, $0.0e+00  }
0x40: {  	v14 =	vsel vm2, $0xBF000000, v0;
	v15 =	vsel vm3, $0xBF000000, v0;
	v16 =	vsel vm5, $0xBF000000, v0;
	v13 =	vld [tilespmem:s23+$0x140]  }
0x41: {  	v18 =	vsel vm6, $0xBF000000, v0;
	v9 =	vmul.f32 v14, v9;
	v14 =	vsel vm4, $0xBF000000, v0;
	v17 =	vld [tilespmem:s23+$0x1C0]  }
0x42: {  	v20 =	vsel vm7, $0xBF000000, v0;
	v5 =	vmul.f32 v15, v5;
	v7 =	vmul.f32 v16, v7;
	v19 =	vld [tilespmem:s23+$0x150]  }
0x43: {  	v11 =	vmul.f32 v18, v11;
	v16 =	vsel vm1, $0xBF000000, v0;
	v6 =	vmul.f32 v14, v6;
	v15 =	vld [tilespmem:s23+$0x1D0]  }
0x44: {  	v8 =	vmul.f32 v20, v8;
	v10 =	vmul.f32 v16, v10;
	v16 =	vsel vm0, $0xBF000000, v0;
	v14 =	vld [tilespmem:s23+$0x160]  }
0x45: {  	v12 =	vmul.f32 v16, v12;
	v9 =	vsel vm12, $0x3DCCCCCD, v9;
	v5 =	vsel vm13, $0x3DCCCCCD, v5;
	v18 =	vld [tilespmem:s23+$0x1E0]  }
0x46: {  	v11 =	vsel vm10, $0x3DCCCCCD, v11;
	v8 =	vsel vm14, $0x3DCCCCCD, v8;
	v10 =	vsel vm15, $0x3DCCCCCD, v10;
	v16 =	vld [tilespmem:s23+$0x170]  }
0x47: {  	v1 =	vadd.f32 v11, v1;
	v4 =	vadd.f32 v8, v4;
	v8 =	vsel vm11, $0x3DCCCCCD, v12;
	v20 =	vld [tilespmem:s23+$0x1F0]  }
0x48: {  	v7 =	vsel vm9, $0x3DCCCCCD, v7;
	v2 =	vadd.f32 v10, v2;
	v3 =	vadd.f32 v8, v3;
	v11 =	vld [tilespmem:s23+$0x100]  }
0x49: {  	v1 =	vadd.f32 v9, v1;
	v4 =	vadd.f32 v5, v4;
	v5 =	vsel vm8, $0x3DCCCCCD, v6;
	v8 =	vld [tilespmem:s23+$0x180]  }
0x4a: {  	v2 =	vadd.f32 v7, v2;
	vm2 =	vlt.f32 v13, $0.0e+00;
	v3 =	vadd.f32 v5, v3;
	v6 =	vld [tilespmem:s23+$0x110]  }
0x4b: {  	v7 =	vand.u32 $0x7FFFFFFF, v13;
	vm1 =	vlt.f32 v17, $0.0e+00;
	v9 =	vand.u32 $0x7FFFFFFF, v17;
	v5 =	vld [tilespmem:s23+$0x190]  }
0x4c: {  	vm3 =	vlt.f32 v19, $0.0e+00;
	v22 =	vand.u32 $0x7FFFFFFF, v19;
	vm4 =	vlt.f32 v15, $0.0e+00;
	v10 =	vld [tilespmem:s23+$0x120]  }
0x4d: {  	v23 =	vand.u32 $0x7FFFFFFF, v15;
	vm5 =	vlt.f32 v14, $0.0e+00;
	vm6 =	vlt.f32 v18, $0.0e+00;
	v12 =	vld [tilespmem:s23+$0x1A0]  }
0x4e: {  	v24 =	vand.u32 $0x7FFFFFFF, v14;
	v25 =	vand.u32 $0x7FFFFFFF, v18;
	vm7 =	vlt.f32 v16, $0.0e+00;
	v13 =	vld [tilespmem:s23+$0x130]  }
0x4f: {  	v26 =	vand.u32 $0x7FFFFFFF, v16;
	vm8 =	vlt.f32 v20, $0.0e+00;
	v27 =	vand.u32 $0x7FFFFFFF, v20;
	v14 =	vld [tilespmem:s23+$0x1B0]  }
0x50: {  	vm9 =	vlt.f32 v11, $0.0e+00;
	v11 =	vand.u32 $0x7FFFFFFF, v11;
	vm11 =	vlt.f32 v8, $0.0e+00  }
0x51: {  	v8 =	vand.u32 $0x7FFFFFFF, v8;
	vm10 =	vlt.f32 v6, $0.0e+00;
	vm12 =	vlt.f32 v5, $0.0e+00  }
0x52: {  	v28 =	vand.u32 $0x7FFFFFFF, v6;
	v29 =	vand.u32 $0x7FFFFFFF, v5;
	vm13 =	vlt.f32 v10, $0.0e+00  }
0x53: {  	v10 =	vand.u32 $0x7FFFFFFF, v10;
	vm14 =	vlt.f32 v12, $0.0e+00;
	v30 =	vand.u32 $0x7FFFFFFF, v12  }
0x54: {  	vm15 =	vlt.f32 v13, $0.0e+00;
	v12 =	vand.u32 $0x7FFFFFFF, v13;
	vm0 =	vlt.f32 v14, $0.0e+00  }
0x55: {  	v21 =	vmin.f32 v22, v23;
	v20 =	vmin.f32 v7, v9;
	v19 =	vand.u32 $0x7FFFFFFF, v14  }
0x56: {  	v17 =	vmin.f32 v24, v25;
	v18 =	vmin.f32 v26, v27;
	v16 =	vmin.f32 v11, v8  }
0x57: {  	v13 =	vmin.f32 v28, v29;
	v14 =	vmin.f32 v10, v30;
	v15 =	vmin.f32 v12, v19  }
.Ltmp0:
0x58: {  	vm2 =	vmxor vm2, vm1;
	vm3 =	vmxor vm3, vm4;
	v9 =	vadd.f32 v9, v7;
	(pc) =	sbr.rel @p0 .LBB2_2-.Ltmp0, $4  }
0x59: {  	vm5 =	vmxor vm5, vm6;
	v7 =	vadd.f32 v25, v24;
	v5 =	vadd.f32 v23, v22  }
0x5a: {  	vm4 =	vmxor vm7, vm8;
	vm6 =	vmxor vm9, vm11;
	v6 =	vadd.f32 v27, v26  }
0x5b: {  	v11 =	vadd.f32 v8, v11;
	vm7 =	vmxor vm10, vm12;
	v8 =	vadd.f32 v29, v28  }
0x5c: {  	s22 =	sadd.s32 $0x400, s22;
	vm1 =	vmxor vm13, vm14;
	v10 =	vadd.f32 v30, v10;
	vm0 =	vmxor vm15, vm0  }
0x5d: {  	v12 =	vadd.f32 v19, v12;
	vm10 =	veq.f32 v20, $0.0e+00;
	vm11 =	veq.f32 v21, $0.0e+00  }
0x5e: {  	vm12 =	veq.f32 v16, $0.0e+00;
	vm9 =	veq.f32 v17, $0.0e+00;
	vm8 =	veq.f32 v18, $0.0e+00  }
0x5f: {  	vm14 =	veq.f32 v13, $0.0e+00;
	vm15 =	veq.f32 v14, $0.0e+00;
	vm13 =	veq.f32 v15, $0.0e+00  }
0x60: {  	_ =	swait.ge [sflag:s19], $0x1800;
	v13 =	vsel vm2, $0xBF000000, v0;
	v14 =	vsel vm3, $0xBF000000, v0;
	v15 =	vsel vm5, $0xBF000000, v0  }
0x61: {  	v17 =	vsel vm6, $0xBF000000, v0;
	v19 =	vsel vm7, $0xBF000000, v0;
	[sflag:s19] =	ssyncset.done $0x0;
	v9 =	vmul.f32 v13, v9  }
0x62: {  	s22 =	simm.s32 $0x0;
	v13 =	vsel vm4, $0xBF000000, v0;
	v5 =	vmul.f32 v14, v5;
	v7 =	vmul.f32 v15, v7;
	[sflag:s19] =	ssyncadd.s32 $0xFFFFE800  }
0x63: {  	v11 =	vmul.f32 v17, v11;
	v15 =	vsel vm1, $0xBF000000, v0;
	v8 =	vmul.f32 v19, v8;
	v16 =	vld [tilespmem:s22+$0x940]  }
0x64: {  	v6 =	vmul.f32 v13, v6;
	v10 =	vmul.f32 v15, v10;
	v15 =	vsel vm0, $0xBF000000, v0;
	v18 =	vld [tilespmem:s22+$0x9C0]  }
0x65: {  	v14 =	vld [tilespmem:s22+$0x950];
	v12 =	vmul.f32 v15, v12;
	v9 =	vsel vm10, $0x3DCCCCCD, v9;
	v5 =	vsel vm11, $0x3DCCCCCD, v5  }
0x66: {  	v13 =	vld [tilespmem:s22+$0x9D0];
	v11 =	vsel vm12, $0x3DCCCCCD, v11;
	v8 =	vsel vm14, $0x3DCCCCCD, v8;
	v10 =	vsel vm15, $0x3DCCCCCD, v10  }
0x67: {  	v17 =	vld [tilespmem:s22+$0x960];
	v1 =	vadd.f32 v11, v1;
	v4 =	vadd.f32 v8, v4;
	v8 =	vsel vm13, $0x3DCCCCCD, v12  }
0x68: {  	v15 =	vld [tilespmem:s22+$0x9E0];
	v10 =	vadd.f32 v10, v2;
	v8 =	vadd.f32 v8, v3;
	v3 =	vsel vm9, $0x3DCCCCCD, v7  }
0x69: {  	v19 =	vld [tilespmem:s22+$0x970];
	v1 =	vadd.f32 v9, v1;
	v2 =	vadd.f32 v5, v4;
	v4 =	vsel vm8, $0x3DCCCCCD, v6  }
0x6a: {  	v11 =	vld [tilespmem:s22+$0x9F0];
	v3 =	vadd.f32 v3, v10;
	v4 =	vadd.f32 v4, v8;
	vm2 =	vlt.f32 v16, $0.0e+00  }
0x6b: {  	vm1 =	vlt.f32 v18, $0.0e+00;
	v9 =	vand.u32 $0x7FFFFFFF, v16;
	v10 =	vand.u32 $0x7FFFFFFF, v18  }
0x6c: {  	vm3 =	vlt.f32 v14, $0.0e+00;
	vm4 =	vlt.f32 v13, $0.0e+00;
	v22 =	vand.u32 $0x7FFFFFFF, v14  }
0x6d: {  	v12 =	vld [tilespmem:s22+$0x920];
	v23 =	vand.u32 $0x7FFFFFFF, v13;
	vm5 =	vlt.f32 v17, $0.0e+00;
	vm6 =	vlt.f32 v15, $0.0e+00  }
0x6e: {  	v7 =	vld [tilespmem:s22+$0x900];
	v24 =	vand.u32 $0x7FFFFFFF, v17;
	v25 =	vand.u32 $0x7FFFFFFF, v15;
	vm7 =	vlt.f32 v19, $0.0e+00  }
0x6f: {  	v5 =	vld [tilespmem:s22+$0x980];
	v26 =	vand.u32 $0x7FFFFFFF, v19;
	vm8 =	vlt.f32 v11, $0.0e+00;
	v11 =	vand.u32 $0x7FFFFFFF, v11  }
0x70: {  	v6 =	vld [tilespmem:s22+$0x910];
	v20 =	vmin.f32 v9, v10;
	v21 =	vmin.f32 v22, v23;
	v17 =	vmin.f32 v24, v25  }
0x71: {  	v8 =	vld [tilespmem:s22+$0x990];
	vm2 =	vmxor vm2, vm1;
	v9 =	vadd.f32 v10, v9;
	vm3 =	vmxor vm3, vm4  }
0x72: {  	v14 =	vld [tilespmem:s22+$0x9A0];
	vm5 =	vmxor vm5, vm6;
	vm13 =	vlt.f32 v12, $0.0e+00;
	v30 =	vand.u32 $0x7FFFFFFF, v12  }
0x73: {  	v13 =	vld [tilespmem:s22+$0x930];
	v18 =	vmin.f32 v26, v11;
	vm4 =	vmxor vm7, vm8;
	vm9 =	vlt.f32 v7, $0.0e+00  }
0x74: {  	v15 =	vld [tilespmem:s22+$0x9B0];
	vm10 =	vlt.f32 v5, $0.0e+00;
	v27 =	vand.u32 $0x7FFFFFFF, v7;
	v28 =	vand.u32 $0x7FFFFFFF, v5  }
0x75: {  	vm11 =	vlt.f32 v6, $0.0e+00;
	v29 =	vand.u32 $0x7FFFFFFF, v6;
	v5 =	vadd.f32 v23, v22  }
0x76: {  	v7 =	vadd.f32 v25, v24;
	v6 =	vadd.f32 v11, v26;
	v16 =	vmin.f32 v27, v28  }
0x77: {  	vm6 =	vmxor vm9, vm10;
	v11 =	vadd.f32 v28, v27;
	vm12 =	vlt.f32 v8, $0.0e+00  }
0x78: {  	v8 =	vand.u32 $0x7FFFFFFF, v8;
	vm14 =	vlt.f32 v14, $0.0e+00;
	v31 =	vand.u32 $0x7FFFFFFF, v14  }
0x79: {  	vm15 =	vlt.f32 v13, $0.0e+00;
	vm0 =	vlt.f32 v15, $0.0e+00;
	v12 =	vand.u32 $0x7FFFFFFF, v13  }
0x7a: {  	v19 =	vand.u32 $0x7FFFFFFF, v15;
	v13 =	vmin.f32 v29, v8;
	v14 =	vmin.f32 v30, v31  }
0x7b: {  	v15 =	vmin.f32 v12, v19;
	vm7 =	vmxor vm11, vm12;
	v8 =	vadd.f32 v8, v29  }
0x7c: {  	s22 =	simm.s32 $0x400;
	vm1 =	vmxor vm13, vm14;
	v10 =	vadd.f32 v31, v30;
	vm0 =	vmxor vm15, vm0  }
.LBB2_4:
0x7d: {  	p0 =	sne.s32 s22, $0x5C00;
	v12 =	vadd.f32 v19, v12;
	vm12 =	veq.f32 v20, $0.0e+00;
	vm13 =	veq.f32 v21, $0.0e+00  }
0x7e: {  	vm10 =	veq.f32 v16, $0.0e+00;
	vm9 =	veq.f32 v17, $0.0e+00;
	vm8 =	veq.f32 v18, $0.0e+00  }
0x7f: {  	s23 =	sshra.s32 s22, $0x2;
	vm14 =	veq.f32 v13, $0.0e+00;
	vm15 =	veq.f32 v14, $0.0e+00;
	vm11 =	veq.f32 v15, $0.0e+00  }
0x80: {  	v14 =	vsel vm2, $0xBF000000, v0;
	v15 =	vsel vm3, $0xBF000000, v0;
	v16 =	vsel vm5, $0xBF000000, v0;
	v13 =	vld [tilespmem:s23+$0x940]  }
0x81: {  	v18 =	vsel vm6, $0xBF000000, v0;
	v9 =	vmul.f32 v14, v9;
	v14 =	vsel vm4, $0xBF000000, v0;
	v17 =	vld [tilespmem:s23+$0x9C0]  }
0x82: {  	v20 =	vsel vm7, $0xBF000000, v0;
	v5 =	vmul.f32 v15, v5;
	v7 =	vmul.f32 v16, v7;
	v19 =	vld [tilespmem:s23+$0x950]  }
0x83: {  	v11 =	vmul.f32 v18, v11;
	v16 =	vsel vm1, $0xBF000000, v0;
	v6 =	vmul.f32 v14, v6;
	v15 =	vld [tilespmem:s23+$0x9D0]  }
0x84: {  	v8 =	vmul.f32 v20, v8;
	v10 =	vmul.f32 v16, v10;
	v16 =	vsel vm0, $0xBF000000, v0;
	v14 =	vld [tilespmem:s23+$0x960]  }
0x85: {  	v12 =	vmul.f32 v16, v12;
	v9 =	vsel vm12, $0x3DCCCCCD, v9;
	v5 =	vsel vm13, $0x3DCCCCCD, v5;
	v18 =	vld [tilespmem:s23+$0x9E0]  }
0x86: {  	v11 =	vsel vm10, $0x3DCCCCCD, v11;
	v8 =	vsel vm14, $0x3DCCCCCD, v8;
	v10 =	vsel vm15, $0x3DCCCCCD, v10;
	v16 =	vld [tilespmem:s23+$0x970]  }
0x87: {  	v1 =	vadd.f32 v11, v1;
	v2 =	vadd.f32 v8, v2;
	v8 =	vsel vm11, $0x3DCCCCCD, v12;
	v20 =	vld [tilespmem:s23+$0x9F0]  }
0x88: {  	v7 =	vsel vm9, $0x3DCCCCCD, v7;
	v3 =	vadd.f32 v10, v3;
	v4 =	vadd.f32 v8, v4;
	v11 =	vld [tilespmem:s23+$0x900]  }
0x89: {  	v1 =	vadd.f32 v9, v1;
	v2 =	vadd.f32 v5, v2;
	v5 =	vsel vm8, $0x3DCCCCCD, v6;
	v8 =	vld [tilespmem:s23+$0x980]  }
0x8a: {  	v3 =	vadd.f32 v7, v3;
	vm2 =	vlt.f32 v13, $0.0e+00;
	v4 =	vadd.f32 v5, v4;
	v6 =	vld [tilespmem:s23+$0x910]  }
0x8b: {  	v7 =	vand.u32 $0x7FFFFFFF, v13;
	vm1 =	vlt.f32 v17, $0.0e+00;
	v9 =	vand.u32 $0x7FFFFFFF, v17;
	v5 =	vld [tilespmem:s23+$0x990]  }
0x8c: {  	vm3 =	vlt.f32 v19, $0.0e+00;
	v22 =	vand.u32 $0x7FFFFFFF, v19;
	vm4 =	vlt.f32 v15, $0.0e+00;
	v10 =	vld [tilespmem:s23+$0x920]  }
0x8d: {  	v23 =	vand.u32 $0x7FFFFFFF, v15;
	vm5 =	vlt.f32 v14, $0.0e+00;
	vm6 =	vlt.f32 v18, $0.0e+00;
	v12 =	vld [tilespmem:s23+$0x9A0]  }
0x8e: {  	v24 =	vand.u32 $0x7FFFFFFF, v14;
	v25 =	vand.u32 $0x7FFFFFFF, v18;
	vm7 =	vlt.f32 v16, $0.0e+00;
	v13 =	vld [tilespmem:s23+$0x930]  }
0x8f: {  	v26 =	vand.u32 $0x7FFFFFFF, v16;
	vm8 =	vlt.f32 v20, $0.0e+00;
	v27 =	vand.u32 $0x7FFFFFFF, v20;
	v14 =	vld [tilespmem:s23+$0x9B0]  }
0x90: {  	vm9 =	vlt.f32 v11, $0.0e+00;
	v11 =	vand.u32 $0x7FFFFFFF, v11;
	vm11 =	vlt.f32 v8, $0.0e+00  }
0x91: {  	v8 =	vand.u32 $0x7FFFFFFF, v8;
	vm10 =	vlt.f32 v6, $0.0e+00;
	vm12 =	vlt.f32 v5, $0.0e+00  }
0x92: {  	v28 =	vand.u32 $0x7FFFFFFF, v6;
	v29 =	vand.u32 $0x7FFFFFFF, v5;
	vm13 =	vlt.f32 v10, $0.0e+00  }
0x93: {  	v10 =	vand.u32 $0x7FFFFFFF, v10;
	vm14 =	vlt.f32 v12, $0.0e+00;
	v30 =	vand.u32 $0x7FFFFFFF, v12  }
0x94: {  	vm15 =	vlt.f32 v13, $0.0e+00;
	v12 =	vand.u32 $0x7FFFFFFF, v13;
	vm0 =	vlt.f32 v14, $0.0e+00  }
0x95: {  	v21 =	vmin.f32 v22, v23;
	v20 =	vmin.f32 v7, v9;
	v19 =	vand.u32 $0x7FFFFFFF, v14  }
0x96: {  	v17 =	vmin.f32 v24, v25;
	v18 =	vmin.f32 v26, v27;
	v16 =	vmin.f32 v11, v8  }
0x97: {  	v13 =	vmin.f32 v28, v29;
	v14 =	vmin.f32 v10, v30;
	v15 =	vmin.f32 v12, v19  }
.Ltmp1:
0x98: {  	vm2 =	vmxor vm2, vm1;
	vm3 =	vmxor vm3, vm4;
	v9 =	vadd.f32 v9, v7;
	(pc) =	sbr.rel @p0 .LBB2_4-.Ltmp1, $4  }
0x99: {  	vm5 =	vmxor vm5, vm6;
	v7 =	vadd.f32 v25, v24;
	v5 =	vadd.f32 v23, v22  }
0x9a: {  	vm4 =	vmxor vm7, vm8;
	vm6 =	vmxor vm9, vm11;
	v6 =	vadd.f32 v27, v26  }
0x9b: {  	v11 =	vadd.f32 v8, v11;
	vm7 =	vmxor vm10, vm12;
	v8 =	vadd.f32 v29, v28  }
0x9c: {  	s22 =	sadd.s32 $0x400, s22;
	vm1 =	vmxor vm13, vm14;
	v10 =	vadd.f32 v30, v10;
	vm0 =	vmxor vm15, vm0  }
0x9d: {  	v12 =	vadd.f32 v19, v12;
	vm10 =	veq.f32 v20, $0.0e+00;
	vm11 =	veq.f32 v21, $0.0e+00  }
0x9e: {  	vm12 =	veq.f32 v16, $0.0e+00;
	vm9 =	veq.f32 v17, $0.0e+00;
	vm8 =	veq.f32 v18, $0.0e+00  }
0x9f: {  	vm14 =	veq.f32 v13, $0.0e+00;
	vm15 =	veq.f32 v14, $0.0e+00;
	vm13 =	veq.f32 v15, $0.0e+00  }
0xa0: {  	_ =	swait.ge [sflag:s19], $0x3000;
	v13 =	vsel vm2, $0xBF000000, v0;
	v14 =	vsel vm3, $0xBF000000, v0;
	v15 =	vsel vm5, $0xBF000000, v0  }
0xa1: {  	v17 =	vsel vm6, $0xBF000000, v0;
	v19 =	vsel vm7, $0xBF000000, v0;
	[sflag:s19] =	ssyncset.done $0x0;
	v9 =	vmul.f32 v13, v9  }
0xa2: {  	s22 =	simm.s32 $0x0;
	v13 =	vsel vm4, $0xBF000000, v0;
	v5 =	vmul.f32 v14, v5;
	v7 =	vmul.f32 v15, v7;
	[sflag:s19] =	ssyncadd.s32 $0xFFFFD000  }
0xa3: {  	v11 =	vmul.f32 v17, v11;
	v15 =	vsel vm1, $0xBF000000, v0;
	v8 =	vmul.f32 v19, v8;
	v16 =	vld [tilespmem:s22+$0x2140]  }
0xa4: {  	v6 =	vmul.f32 v13, v6;
	v10 =	vmul.f32 v15, v10;
	v15 =	vsel vm0, $0xBF000000, v0;
	v18 =	vld [tilespmem:s22+$0x21C0]  }
0xa5: {  	v14 =	vld [tilespmem:s22+$0x2150];
	v12 =	vmul.f32 v15, v12;
	v9 =	vsel vm10, $0x3DCCCCCD, v9;
	v5 =	vsel vm11, $0x3DCCCCCD, v5  }
0xa6: {  	v13 =	vld [tilespmem:s22+$0x21D0];
	v11 =	vsel vm12, $0x3DCCCCCD, v11;
	v8 =	vsel vm14, $0x3DCCCCCD, v8;
	v10 =	vsel vm15, $0x3DCCCCCD, v10  }
0xa7: {  	v17 =	vld [tilespmem:s22+$0x2160];
	v1 =	vadd.f32 v11, v1;
	v2 =	vadd.f32 v8, v2;
	v8 =	vsel vm13, $0x3DCCCCCD, v12  }
0xa8: {  	v15 =	vld [tilespmem:s22+$0x21E0];
	v7 =	vsel vm9, $0x3DCCCCCD, v7;
	v3 =	vadd.f32 v10, v3;
	v4 =	vadd.f32 v8, v4  }
0xa9: {  	v19 =	vld [tilespmem:s22+$0x2170];
	v1 =	vadd.f32 v9, v1;
	v2 =	vadd.f32 v5, v2;
	v5 =	vsel vm8, $0x3DCCCCCD, v6  }
0xaa: {  	v11 =	vld [tilespmem:s22+$0x21F0];
	v3 =	vadd.f32 v7, v3;
	v4 =	vadd.f32 v5, v4;
	vm2 =	vlt.f32 v16, $0.0e+00  }
0xab: {  	vm1 =	vlt.f32 v18, $0.0e+00;
	v9 =	vand.u32 $0x7FFFFFFF, v16;
	v10 =	vand.u32 $0x7FFFFFFF, v18  }
0xac: {  	vm3 =	vlt.f32 v14, $0.0e+00;
	vm4 =	vlt.f32 v13, $0.0e+00;
	v22 =	vand.u32 $0x7FFFFFFF, v14  }
0xad: {  	v12 =	vld [tilespmem:s22+$0x2120];
	v23 =	vand.u32 $0x7FFFFFFF, v13;
	vm5 =	vlt.f32 v17, $0.0e+00;
	vm6 =	vlt.f32 v15, $0.0e+00  }
0xae: {  	v8 =	vld [tilespmem:s22+$0x2100];
	v24 =	vand.u32 $0x7FFFFFFF, v17;
	v25 =	vand.u32 $0x7FFFFFFF, v15;
	vm7 =	vlt.f32 v19, $0.0e+00  }
0xaf: {  	v6 =	vld [tilespmem:s22+$0x2180];
	v26 =	vand.u32 $0x7FFFFFFF, v19;
	vm8 =	vlt.f32 v11, $0.0e+00;
	v11 =	vand.u32 $0x7FFFFFFF, v11  }
0xb0: {  	v7 =	vld [tilespmem:s22+$0x2190];
	v20 =	vmin.f32 v9, v10;
	v21 =	vmin.f32 v22, v23;
	v17 =	vmin.f32 v24, v25  }
0xb1: {  	v5 =	vld [tilespmem:s22+$0x2110];
	vm2 =	vmxor vm2, vm1;
	v9 =	vadd.f32 v10, v9;
	vm3 =	vmxor vm3, vm4  }
0xb2: {  	v14 =	vld [tilespmem:s22+$0x21A0];
	vm5 =	vmxor vm5, vm6;
	vm13 =	vlt.f32 v12, $0.0e+00;
	v30 =	vand.u32 $0x7FFFFFFF, v12  }
0xb3: {  	v13 =	vld [tilespmem:s22+$0x2130];
	v18 =	vmin.f32 v26, v11;
	vm4 =	vmxor vm7, vm8;
	vm9 =	vlt.f32 v8, $0.0e+00  }
0xb4: {  	v15 =	vld [tilespmem:s22+$0x21B0];
	vm10 =	vlt.f32 v6, $0.0e+00;
	v8 =	vand.u32 $0x7FFFFFFF, v8;
	v27 =	vand.u32 $0x7FFFFFFF, v6  }
0xb5: {  	v6 =	vadd.f32 v11, v26;
	vm12 =	vlt.f32 v7, $0.0e+00;
	v29 =	vand.u32 $0x7FFFFFFF, v7  }
0xb6: {  	v16 =	vmin.f32 v8, v27;
	v7 =	vadd.f32 v25, v24;
	vm6 =	vmxor vm9, vm10  }
0xb7: {  	v11 =	vadd.f32 v27, v8;
	vm11 =	vlt.f32 v5, $0.0e+00;
	v28 =	vand.u32 $0x7FFFFFFF, v5  }
0xb8: {  	vm14 =	vlt.f32 v14, $0.0e+00;
	v31 =	vand.u32 $0x7FFFFFFF, v14;
	vm15 =	vlt.f32 v13, $0.0e+00  }
0xb9: {  	vm0 =	vlt.f32 v15, $0.0e+00;
	v12 =	vand.u32 $0x7FFFFFFF, v13;
	v19 =	vand.u32 $0x7FFFFFFF, v15  }
0xba: {  	v5 =	vadd.f32 v23, v22;
	v13 =	vmin.f32 v28, v29;
	v14 =	vmin.f32 v30, v31  }
0xbb: {  	v15 =	vmin.f32 v12, v19;
	vm7 =	vmxor vm11, vm12;
	v8 =	vadd.f32 v29, v28  }
0xbc: {  	s22 =	simm.s32 $0x400;
	vm1 =	vmxor vm13, vm14;
	v10 =	vadd.f32 v31, v30;
	vm0 =	vmxor vm15, vm0  }
.LBB2_6:
0xbd: {  	p0 =	sne.s32 s22, $0xBC00;
	v12 =	vadd.f32 v19, v12;
	vm12 =	veq.f32 v20, $0.0e+00;
	vm13 =	veq.f32 v21, $0.0e+00  }
0xbe: {  	vm10 =	veq.f32 v16, $0.0e+00;
	vm9 =	veq.f32 v17, $0.0e+00;
	vm8 =	veq.f32 v18, $0.0e+00  }
0xbf: {  	s23 =	sshra.s32 s22, $0x2;
	vm14 =	veq.f32 v13, $0.0e+00;
	vm15 =	veq.f32 v14, $0.0e+00;
	vm11 =	veq.f32 v15, $0.0e+00  }
0xc0: {  	v14 =	vsel vm2, $0xBF000000, v0;
	v15 =	vsel vm3, $0xBF000000, v0;
	v16 =	vsel vm5, $0xBF000000, v0;
	v13 =	vld [tilespmem:s23+$0x2140]  }
0xc1: {  	v18 =	vsel vm6, $0xBF000000, v0;
	v9 =	vmul.f32 v14, v9;
	v14 =	vsel vm4, $0xBF000000, v0;
	v17 =	vld [tilespmem:s23+$0x21C0]  }
0xc2: {  	v20 =	vsel vm7, $0xBF000000, v0;
	v5 =	vmul.f32 v15, v5;
	v7 =	vmul.f32 v16, v7;
	v19 =	vld [tilespmem:s23+$0x2150]  }
0xc3: {  	v11 =	vmul.f32 v18, v11;
	v16 =	vsel vm1, $0xBF000000, v0;
	v6 =	vmul.f32 v14, v6;
	v15 =	vld [tilespmem:s23+$0x21D0]  }
0xc4: {  	v8 =	vmul.f32 v20, v8;
	v10 =	vmul.f32 v16, v10;
	v16 =	vsel vm0, $0xBF000000, v0;
	v14 =	vld [tilespmem:s23+$0x2160]  }
0xc5: {  	v12 =	vmul.f32 v16, v12;
	v9 =	vsel vm12, $0x3DCCCCCD, v9;
	v5 =	vsel vm13, $0x3DCCCCCD, v5;
	v18 =	vld [tilespmem:s23+$0x21E0]  }
0xc6: {  	v11 =	vsel vm10, $0x3DCCCCCD, v11;
	v8 =	vsel vm14, $0x3DCCCCCD, v8;
	v10 =	vsel vm15, $0x3DCCCCCD, v10;
	v16 =	vld [tilespmem:s23+$0x2170]  }
0xc7: {  	v1 =	vadd.f32 v11, v1;
	v2 =	vadd.f32 v8, v2;
	v8 =	vsel vm11, $0x3DCCCCCD, v12;
	v20 =	vld [tilespmem:s23+$0x21F0]  }
0xc8: {  	v7 =	vsel vm9, $0x3DCCCCCD, v7;
	v3 =	vadd.f32 v10, v3;
	v4 =	vadd.f32 v8, v4;
	v11 =	vld [tilespmem:s23+$0x2100]  }
0xc9: {  	v1 =	vadd.f32 v9, v1;
	v2 =	vadd.f32 v5, v2;
	v5 =	vsel vm8, $0x3DCCCCCD, v6;
	v8 =	vld [tilespmem:s23+$0x2180]  }
0xca: {  	v3 =	vadd.f32 v7, v3;
	vm2 =	vlt.f32 v13, $0.0e+00;
	v4 =	vadd.f32 v5, v4;
	v6 =	vld [tilespmem:s23+$0x2110]  }
0xcb: {  	v7 =	vand.u32 $0x7FFFFFFF, v13;
	vm1 =	vlt.f32 v17, $0.0e+00;
	v9 =	vand.u32 $0x7FFFFFFF, v17;
	v5 =	vld [tilespmem:s23+$0x2190]  }
0xcc: {  	vm3 =	vlt.f32 v19, $0.0e+00;
	v22 =	vand.u32 $0x7FFFFFFF, v19;
	vm4 =	vlt.f32 v15, $0.0e+00;
	v10 =	vld [tilespmem:s23+$0x2120]  }
0xcd: {  	v23 =	vand.u32 $0x7FFFFFFF, v15;
	vm5 =	vlt.f32 v14, $0.0e+00;
	vm6 =	vlt.f32 v18, $0.0e+00;
	v12 =	vld [tilespmem:s23+$0x21A0]  }
0xce: {  	v24 =	vand.u32 $0x7FFFFFFF, v14;
	v25 =	vand.u32 $0x7FFFFFFF, v18;
	vm7 =	vlt.f32 v16, $0.0e+00;
	v13 =	vld [tilespmem:s23+$0x2130]  }
0xcf: {  	v26 =	vand.u32 $0x7FFFFFFF, v16;
	vm8 =	vlt.f32 v20, $0.0e+00;
	v27 =	vand.u32 $0x7FFFFFFF, v20;
	v14 =	vld [tilespmem:s23+$0x21B0]  }
0xd0: {  	vm9 =	vlt.f32 v11, $0.0e+00;
	v11 =	vand.u32 $0x7FFFFFFF, v11;
	vm11 =	vlt.f32 v8, $0.0e+00  }
0xd1: {  	v8 =	vand.u32 $0x7FFFFFFF, v8;
	vm10 =	vlt.f32 v6, $0.0e+00;
	vm12 =	vlt.f32 v5, $0.0e+00  }
0xd2: {  	v28 =	vand.u32 $0x7FFFFFFF, v6;
	v29 =	vand.u32 $0x7FFFFFFF, v5;
	vm13 =	vlt.f32 v10, $0.0e+00  }
0xd3: {  	v10 =	vand.u32 $0x7FFFFFFF, v10;
	vm14 =	vlt.f32 v12, $0.0e+00;
	v30 =	vand.u32 $0x7FFFFFFF, v12  }
0xd4: {  	vm15 =	vlt.f32 v13, $0.0e+00;
	v12 =	vand.u32 $0x7FFFFFFF, v13;
	vm0 =	vlt.f32 v14, $0.0e+00  }
0xd5: {  	v21 =	vmin.f32 v22, v23;
	v20 =	vmin.f32 v7, v9;
	v19 =	vand.u32 $0x7FFFFFFF, v14  }
0xd6: {  	v17 =	vmin.f32 v24, v25;
	v18 =	vmin.f32 v26, v27;
	v16 =	vmin.f32 v11, v8  }
0xd7: {  	v13 =	vmin.f32 v28, v29;
	v14 =	vmin.f32 v10, v30;
	v15 =	vmin.f32 v12, v19  }
.Ltmp2:
0xd8: {  	vm2 =	vmxor vm2, vm1;
	vm3 =	vmxor vm3, vm4;
	v9 =	vadd.f32 v9, v7;
	(pc) =	sbr.rel @p0 .LBB2_6-.Ltmp2, $4  }
0xd9: {  	vm5 =	vmxor vm5, vm6;
	v7 =	vadd.f32 v25, v24;
	v5 =	vadd.f32 v23, v22  }
0xda: {  	vm4 =	vmxor vm7, vm8;
	vm6 =	vmxor vm9, vm11;
	v6 =	vadd.f32 v27, v26  }
0xdb: {  	v11 =	vadd.f32 v8, v11;
	vm7 =	vmxor vm10, vm12;
	v8 =	vadd.f32 v29, v28  }
0xdc: {  	s22 =	sadd.s32 $0x400, s22;
	vm1 =	vmxor vm13, vm14;
	v10 =	vadd.f32 v30, v10;
	vm0 =	vmxor vm15, vm0  }
0xdd: {  	v12 =	vadd.f32 v19, v12;
	vm10 =	veq.f32 v20, $0.0e+00;
	vm11 =	veq.f32 v21, $0.0e+00  }
0xde: {  	vm12 =	veq.f32 v16, $0.0e+00;
	vm9 =	veq.f32 v17, $0.0e+00;
	vm8 =	veq.f32 v18, $0.0e+00  }
0xdf: {  	vm14 =	veq.f32 v13, $0.0e+00;
	vm15 =	veq.f32 v14, $0.0e+00;
	vm13 =	veq.f32 v15, $0.0e+00  }
0xe0: {  	_ =	swait.ge [sflag:s19], $0x3000;
	v13 =	vsel vm2, $0xBF000000, v0;
	v14 =	vsel vm3, $0xBF000000, v0;
	v15 =	vsel vm5, $0xBF000000, v0  }
0xe1: {  	v17 =	vsel vm6, $0xBF000000, v0;
	v19 =	vsel vm7, $0xBF000000, v0;
	[sflag:s19] =	ssyncset.done $0x0;
	v9 =	vmul.f32 v13, v9  }
0xe2: {  	s22 =	simm.s32 $0x0;
	v13 =	vsel vm4, $0xBF000000, v0;
	v5 =	vmul.f32 v14, v5;
	v7 =	vmul.f32 v15, v7;
	[sflag:s19] =	ssyncadd.s32 $0xFFFFD000  }
0xe3: {  	v11 =	vmul.f32 v17, v11;
	v15 =	vsel vm1, $0xBF000000, v0;
	v8 =	vmul.f32 v19, v8;
	v16 =	vld [tilespmem:s22+$0x5140]  }
0xe4: {  	v6 =	vmul.f32 v13, v6;
	v10 =	vmul.f32 v15, v10;
	v15 =	vsel vm0, $0xBF000000, v0;
	v18 =	vld [tilespmem:s22+$0x51C0]  }
0xe5: {  	v14 =	vld [tilespmem:s22+$0x5150];
	v12 =	vmul.f32 v15, v12;
	v9 =	vsel vm10, $0x3DCCCCCD, v9;
	v5 =	vsel vm11, $0x3DCCCCCD, v5  }
0xe6: {  	v13 =	vld [tilespmem:s22+$0x51D0];
	v11 =	vsel vm12, $0x3DCCCCCD, v11;
	v8 =	vsel vm14, $0x3DCCCCCD, v8;
	v10 =	vsel vm15, $0x3DCCCCCD, v10  }
0xe7: {  	v17 =	vld [tilespmem:s22+$0x5160];
	v1 =	vadd.f32 v11, v1;
	v2 =	vadd.f32 v8, v2;
	v8 =	vsel vm13, $0x3DCCCCCD, v12  }
0xe8: {  	v15 =	vld [tilespmem:s22+$0x51E0];
	v7 =	vsel vm9, $0x3DCCCCCD, v7;
	v3 =	vadd.f32 v10, v3;
	v4 =	vadd.f32 v8, v4  }
0xe9: {  	v19 =	vld [tilespmem:s22+$0x5170];
	v1 =	vadd.f32 v9, v1;
	v2 =	vadd.f32 v5, v2;
	v5 =	vsel vm8, $0x3DCCCCCD, v6  }
0xea: {  	v11 =	vld [tilespmem:s22+$0x51F0];
	v3 =	vadd.f32 v7, v3;
	v4 =	vadd.f32 v5, v4;
	vm0 =	vlt.f32 v16, $0.0e+00  }
0xeb: {  	vm1 =	vlt.f32 v18, $0.0e+00;
	v9 =	vand.u32 $0x7FFFFFFF, v16;
	v10 =	vand.u32 $0x7FFFFFFF, v18  }
0xec: {  	v12 =	vld [tilespmem:s22+$0x5120];
	vm2 =	vlt.f32 v14, $0.0e+00;
	vm3 =	vlt.f32 v13, $0.0e+00;
	v22 =	vand.u32 $0x7FFFFFFF, v14  }
0xed: {  	v8 =	vld [tilespmem:s22+$0x5100];
	v23 =	vand.u32 $0x7FFFFFFF, v13;
	vm4 =	vlt.f32 v17, $0.0e+00;
	vm5 =	vlt.f32 v15, $0.0e+00  }
0xee: {  	v6 =	vld [tilespmem:s22+$0x5180];
	v24 =	vand.u32 $0x7FFFFFFF, v17;
	v25 =	vand.u32 $0x7FFFFFFF, v15;
	vm7 =	vlt.f32 v19, $0.0e+00  }
0xef: {  	v26 =	vand.u32 $0x7FFFFFFF, v19;
	vm8 =	vlt.f32 v11, $0.0e+00;
	v11 =	vand.u32 $0x7FFFFFFF, v11  }
0xf0: {  	v7 =	vld [tilespmem:s22+$0x5190];
	v17 =	vmin.f32 v9, v10;
	v18 =	vmin.f32 v22, v23;
	v20 =	vmin.f32 v24, v25  }
0xf1: {  	v5 =	vld [tilespmem:s22+$0x5110];
	vm1 =	vmxor vm0, vm1;
	vm2 =	vmxor vm2, vm3;
	vm5 =	vmxor vm4, vm5  }
0xf2: {  	v14 =	vld [tilespmem:s22+$0x51A0];
	vm12 =	vlt.f32 v12, $0.0e+00;
	v31 =	vand.u32 $0x7FFFFFFF, v12;
	v21 =	vmin.f32 v26, v11  }
0xf3: {  	v13 =	vld [tilespmem:s22+$0x5130];
	vm4 =	vmxor vm7, vm8;
	vm6 =	vlt.f32 v8, $0.0e+00;
	vm9 =	vlt.f32 v6, $0.0e+00  }
0xf4: {  	v15 =	vld [tilespmem:s22+$0x51B0];
	v27 =	vand.u32 $0x7FFFFFFF, v8;
	v28 =	vand.u32 $0x7FFFFFFF, v6;
	v8 =	vadd.f32 v10, v9  }
0xf5: {  	v6 =	vadd.f32 v11, v26;
	vm11 =	vlt.f32 v7, $0.0e+00;
	v30 =	vand.u32 $0x7FFFFFFF, v7  }
0xf6: {  	v19 =	vmin.f32 v27, v28;
	v7 =	vadd.f32 v25, v24;
	vm6 =	vmxor vm6, vm9  }
0xf7: {  	v11 =	vadd.f32 v28, v27;
	vm10 =	vlt.f32 v5, $0.0e+00;
	v29 =	vand.u32 $0x7FFFFFFF, v5  }
0xf8: {  	vm13 =	vlt.f32 v14, $0.0e+00;
	v32 =	vand.u32 $0x7FFFFFFF, v14;
	vm14 =	vlt.f32 v13, $0.0e+00  }
0xf9: {  	vm15 =	vlt.f32 v15, $0.0e+00;
	v12 =	vand.u32 $0x7FFFFFFF, v13;
	v16 =	vand.u32 $0x7FFFFFFF, v15  }
0xfa: {  	v5 =	vadd.f32 v23, v22;
	v13 =	vmin.f32 v29, v30;
	v14 =	vmin.f32 v31, v32  }
0xfb: {  	v15 =	vmin.f32 v12, v16;
	vm7 =	vmxor vm10, vm11;
	v9 =	vadd.f32 v30, v29  }
0xfc: {  	s22 =	simm.s32 $0x400;
	vm3 =	vmxor vm12, vm13;
	v10 =	vadd.f32 v32, v31;
	vm0 =	vmxor vm14, vm15  }
.LBB2_8:
0xfd: {  	p0 =	sne.s32 s22, $0xBC00;
	v12 =	vadd.f32 v16, v12;
	vm12 =	veq.f32 v17, $0.0e+00;
	vm13 =	veq.f32 v18, $0.0e+00  }
0xfe: {  	vm10 =	veq.f32 v19, $0.0e+00;
	vm9 =	veq.f32 v20, $0.0e+00;
	vm8 =	veq.f32 v21, $0.0e+00  }
0xff: {  	s23 =	sshra.s32 s22, $0x2;
	vm14 =	veq.f32 v13, $0.0e+00;
	vm15 =	veq.f32 v14, $0.0e+00;
	vm11 =	veq.f32 v15, $0.0e+00  }
0x100: {  	v14 =	vsel vm1, $0xBF000000, v0;
	v15 =	vsel vm2, $0xBF000000, v0;
	v16 =	vsel vm5, $0xBF000000, v0;
	v13 =	vld [tilespmem:s23+$0x5140]  }
0x101: {  	v18 =	vsel vm6, $0xBF000000, v0;
	v8 =	vmul.f32 v14, v8;
	v14 =	vsel vm4, $0xBF000000, v0;
	v17 =	vld [tilespmem:s23+$0x51C0]  }
0x102: {  	v20 =	vsel vm7, $0xBF000000, v0;
	v5 =	vmul.f32 v15, v5;
	v7 =	vmul.f32 v16, v7;
	v19 =	vld [tilespmem:s23+$0x5150]  }
0x103: {  	v11 =	vmul.f32 v18, v11;
	v16 =	vsel vm3, $0xBF000000, v0;
	v6 =	vmul.f32 v14, v6;
	v15 =	vld [tilespmem:s23+$0x51D0]  }
0x104: {  	v9 =	vmul.f32 v20, v9;
	v10 =	vmul.f32 v16, v10;
	v16 =	vsel vm0, $0xBF000000, v0;
	v14 =	vld [tilespmem:s23+$0x5160]  }
0x105: {  	v12 =	vmul.f32 v16, v12;
	v8 =	vsel vm12, $0x3DCCCCCD, v8;
	v5 =	vsel vm13, $0x3DCCCCCD, v5;
	v18 =	vld [tilespmem:s23+$0x51E0]  }
0x106: {  	v11 =	vsel vm10, $0x3DCCCCCD, v11;
	v9 =	vsel vm14, $0x3DCCCCCD, v9;
	v10 =	vsel vm15, $0x3DCCCCCD, v10;
	v16 =	vld [tilespmem:s23+$0x5170]  }
0x107: {  	v1 =	vadd.f32 v11, v1;
	v2 =	vadd.f32 v9, v2;
	v9 =	vsel vm11, $0x3DCCCCCD, v12;
	v20 =	vld [tilespmem:s23+$0x51F0]  }
0x108: {  	v7 =	vsel vm9, $0x3DCCCCCD, v7;
	v3 =	vadd.f32 v10, v3;
	v4 =	vadd.f32 v9, v4;
	v11 =	vld [tilespmem:s23+$0x5100]  }
0x109: {  	v1 =	vadd.f32 v8, v1;
	v2 =	vadd.f32 v5, v2;
	v5 =	vsel vm8, $0x3DCCCCCD, v6;
	v9 =	vld [tilespmem:s23+$0x5180]  }
0x10a: {  	v3 =	vadd.f32 v7, v3;
	vm0 =	vlt.f32 v13, $0.0e+00;
	v4 =	vadd.f32 v5, v4;
	v6 =	vld [tilespmem:s23+$0x5110]  }
0x10b: {  	v7 =	vand.u32 $0x7FFFFFFF, v13;
	vm1 =	vlt.f32 v17, $0.0e+00;
	v8 =	vand.u32 $0x7FFFFFFF, v17;
	v5 =	vld [tilespmem:s23+$0x5190]  }
0x10c: {  	vm2 =	vlt.f32 v19, $0.0e+00;
	v22 =	vand.u32 $0x7FFFFFFF, v19;
	vm3 =	vlt.f32 v15, $0.0e+00;
	v10 =	vld [tilespmem:s23+$0x5120]  }
0x10d: {  	v23 =	vand.u32 $0x7FFFFFFF, v15;
	vm4 =	vlt.f32 v14, $0.0e+00;
	vm5 =	vlt.f32 v18, $0.0e+00;
	v12 =	vld [tilespmem:s23+$0x51A0]  }
0x10e: {  	v24 =	vand.u32 $0x7FFFFFFF, v14;
	v25 =	vand.u32 $0x7FFFFFFF, v18;
	vm7 =	vlt.f32 v16, $0.0e+00;
	v13 =	vld [tilespmem:s23+$0x5130]  }
0x10f: {  	v26 =	vand.u32 $0x7FFFFFFF, v16;
	vm8 =	vlt.f32 v20, $0.0e+00;
	v27 =	vand.u32 $0x7FFFFFFF, v20;
	v14 =	vld [tilespmem:s23+$0x51B0]  }
0x110: {  	vm6 =	vlt.f32 v11, $0.0e+00;
	v11 =	vand.u32 $0x7FFFFFFF, v11;
	vm10 =	vlt.f32 v9, $0.0e+00  }
0x111: {  	v9 =	vand.u32 $0x7FFFFFFF, v9;
	vm9 =	vlt.f32 v6, $0.0e+00;
	vm11 =	vlt.f32 v5, $0.0e+00  }
0x112: {  	v28 =	vand.u32 $0x7FFFFFFF, v6;
	v29 =	vand.u32 $0x7FFFFFFF, v5;
	vm12 =	vlt.f32 v10, $0.0e+00  }
0x113: {  	v10 =	vand.u32 $0x7FFFFFFF, v10;
	vm13 =	vlt.f32 v12, $0.0e+00;
	v30 =	vand.u32 $0x7FFFFFFF, v12  }
0x114: {  	vm14 =	vlt.f32 v13, $0.0e+00;
	v12 =	vand.u32 $0x7FFFFFFF, v13;
	vm15 =	vlt.f32 v14, $0.0e+00  }
0x115: {  	v17 =	vmin.f32 v7, v8;
	v18 =	vmin.f32 v22, v23;
	v16 =	vand.u32 $0x7FFFFFFF, v14  }
0x116: {  	v20 =	vmin.f32 v24, v25;
	v21 =	vmin.f32 v26, v27;
	v19 =	vmin.f32 v11, v9  }
0x117: {  	v13 =	vmin.f32 v28, v29;
	v14 =	vmin.f32 v10, v30;
	v15 =	vmin.f32 v12, v16  }
.Ltmp3:
0x118: {  	vm1 =	vmxor vm0, vm1;
	v8 =	vadd.f32 v8, v7;
	vm2 =	vmxor vm2, vm3;
	(pc) =	sbr.rel @p0 .LBB2_8-.Ltmp3, $4  }
0x119: {  	vm5 =	vmxor vm4, vm5;
	v7 =	vadd.f32 v25, v24;
	v5 =	vadd.f32 v23, v22  }
0x11a: {  	vm4 =	vmxor vm7, vm8;
	vm6 =	vmxor vm6, vm10;
	v6 =	vadd.f32 v27, v26  }
0x11b: {  	v11 =	vadd.f32 v9, v11;
	vm7 =	vmxor vm9, vm11;
	v9 =	vadd.f32 v29, v28  }
0x11c: {  	s22 =	sadd.s32 $0x400, s22;
	vm3 =	vmxor vm12, vm13;
	v10 =	vadd.f32 v30, v10;
	vm0 =	vmxor vm14, vm15  }
0x11d: {  	v12 =	vadd.f32 v16, v12;
	vm9 =	veq.f32 v17, $0.0e+00;
	vm10 =	veq.f32 v18, $0.0e+00  }
0x11e: {  	vm11 =	veq.f32 v19, $0.0e+00;
	vm12 =	veq.f32 v20, $0.0e+00;
	vm8 =	veq.f32 v21, $0.0e+00  }
0x11f: {  	vm13 =	veq.f32 v13, $0.0e+00;
	vm14 =	veq.f32 v14, $0.0e+00;
	vm15 =	veq.f32 v15, $0.0e+00  }
0x120: {  	v54 =	vsel vm1, $0xBF000000, v0;
	v55 =	vsel vm2, $0xBF000000, v0;
	v56 =	vsel vm5, $0xBF000000, v0  }
0x121: {  	v57 =	vsel vm6, $0xBF000000, v0;
	v58 =	vsel vm4, $0xBF000000, v0;
	v8 =	vmul.f32 v54, v8  }
0x122: {  	v59 =	vsel vm7, $0xBF000000, v0;
	v5 =	vmul.f32 v55, v5;
	v7 =	vmul.f32 v56, v7  }
0x123: {  	v60 =	vsel vm3, $0xBF000000, v0;
	v11 =	vmul.f32 v57, v11;
	v6 =	vmul.f32 v58, v6  }
0x124: {  	v61 =	vsel vm0, $0xBF000000, v0;
	v9 =	vmul.f32 v59, v9;
	v10 =	vmul.f32 v60, v10  }
0x125: {  	v12 =	vmul.f32 v61, v12;
	v8 =	vsel vm9, $0x3DCCCCCD, v8;
	v5 =	vsel vm10, $0x3DCCCCCD, v5  }
0x126: {  	v11 =	vsel vm11, $0x3DCCCCCD, v11;
	v9 =	vsel vm13, $0x3DCCCCCD, v9;
	v10 =	vsel vm14, $0x3DCCCCCD, v10  }
0x127: {  	v1 =	vadd.f32 v11, v1;
	v2 =	vadd.f32 v9, v2;
	v62 =	vsel vm15, $0x3DCCCCCD, v12  }
0x128: {  	v7 =	vsel vm12, $0x3DCCCCCD, v7;
	v3 =	vadd.f32 v10, v3;
	v4 =	vadd.f32 v62, v4  }
0x129: {  	v63 =	vsel vm8, $0x3DCCCCCD, v6;
	v1 =	vadd.f32 v8, v1;
	v2 =	vadd.f32 v5, v2  }
0x12a: {  	v3 =	vadd.f32 v7, v3;
	v4 =	vadd.f32 v63, v4;
	_ =	sdelay $0x1  }
0x12b: {  	v1 =	vadd.f32 v2, v1;
	v2 =	vadd.f32 v4, v3;
	_ =	sdelay $0x1  }
0x12c: {  	s21 =	sadd.s32 $0x1, s21;
	v1 =	vadd.f32 v2, v1  }
0x12d: {  	p0 =	sne.s32 s21, s6  }
.Ltmp4:
0x12e: {  	[tilespmem:$0x8100] =	vst v1;
	(pc) =	sbr.rel @p0 .LBB2_1-.Ltmp4, $4  }
0x12f: {  	[hbm4b:s5+s3] =	stream.linear.scatter [tilespmem:s20], [sflag:$0x2], $0x80, $0x38;
	[tilespmem:$0x8180] =	vst v63  }
0x130: {  	_ =	swait.ge [sflag:s9], $0x80  }
0x131: {  	[sflag:s9] =	ssyncset.done $0x0  }
0x132: {  	[sflag:s9] =	ssyncadd.s32 $0xFFFFFF80  }
0x133: {  	_ =	sfence.sel $0x180000  }
0x134: {  	[bflag:$0x0] =	sbarrier.arrive $0xFFFF  }
0x135: {  	p0 =	sne.s32 s2, $0x0;
	_ =	strace $0x90000047  }
0x136: {  	s0 =	sadd.s32 @!p0 $0x100000, s0;
	[bflag:$0x2] =	sbarrier.arrive $0xFFFF  }
0x137: {  	[sflag:s0] =	ssyncadd.tile.s32 @!p0 $0x1;
	_ =	shalt  }
.Lfunc_end2:
_tile_overlayer_lowered:
.L_overlay_start_2:
0x138: {  	(tag) =	ssettag $0x2  }
0x139: {  	s0 =	rddreg [dreg:$0x0];
	s2 =	stileid.u32  }
0x13a: {  	s1 =	rddreg [dreg:$0x1];
	p0 =	sne.s32 s2, $0x0  }
0x13b: {  	s3 =	rddreg [dreg:$0x2];
	[bflag:$0x3] =	sbarrier.arrive $0xFFFF;
	s2 =	simm.s32 @!p0 $0x1C02  }
0x13c: {  	[timem:s3], [sflag:s2] =	dma.local @!p0 [hbm:s0], s1  }
0x13d: {  	s0 =	simm.s32 @!p0 $0x2  }
0x13e: {  	_ =	swait.ge @!p0 [sflag:s0], s1  }
0x13f: {  	s1 =	ssub.s32 @!p0 $0x0, s1;
	[sflag:s0] =	ssyncset.done @!p0 $0x0  }
0x140: {  	[sflag:s0] =	ssyncadd.s32 @!p0 s1  }
0x141: {  	[bflag:$0x3] =	sbarrier.arrive $0xFFFF  }
0x142: {  	_ =	shalt  }

</sc_bundles>
